<compile_context>
chip_gen: v7x
topology: tpu7x:2x2x1
jax: 0.10.2.dev20260603
libtpu: 0.0.44.dev20260713+nightly
codegen_flags: <defaults>
</compile_context>

<pallas_src>
import jax
import jax.numpy as jnp
from jax import lax
from jax.experimental import pallas as pl
from jax.experimental.pallas import tpu as pltpu
from jax.experimental.pallas import tpu_sc as plsc

N = 49152
ROWS = N // 128
NW = 32
B_PER_W = ROWS // NW
A_PER_W = N // NW



def _sc_body(ts_hbm, td_hbm, od_hbm, out_hbm, ts_v, td_v, od_v, st_v, agg_v,
             shared):
    c = lax.axis_index("c")
    s = lax.axis_index("s")
    wid = s * 2 + c

    pltpu.sync_copy(ts_hbm.at[0, pl.ds(wid * A_PER_W, A_PER_W)], ts_v)
    pltpu.sync_copy(td_hbm.at[pl.ds(wid * 4 * B_PER_W, 4 * B_PER_W), :], td_v)
    pltpu.sync_copy(od_hbm.at[pl.ds(wid * 4 * B_PER_W, 4 * B_PER_W), :], od_v)

    zeros = jnp.zeros((16,), jnp.float32)

    def step(r, carry):
        acc, cnt = carry
        for l in range(8):
            sc = ts_v[pl.ds(r * 128 + l * 16, 16)]
            valid = jnp.where(sc != -1.0, 1.0, 0.0)
            p_star = jnp.where(sc > 0.0, 1.0, 0.0) * valid
            tot = zeros
            for cc in range(4):
                td_c = td_v[4 * r + cc, pl.ds(l * 16, 16)]
                od_c = od_v[4 * r + cc, pl.ds(l * 16, 16)]
                d = jnp.abs(od_c - td_c)
                tot = tot + jnp.where(d < 1.0, 0.5 * d * d, d - 0.5)
            acc = acc + p_star * tot
            cnt = cnt + p_star
        return acc, cnt

    acc, cnt = lax.fori_loop(0, B_PER_W, step, (zeros, zeros))

    st_v[pl.ds(0, 16)] = acc
    st_v[pl.ds(16, 16)] = cnt
    pltpu.sync_copy(st_v.at[pl.ds(0, 16)], out_hbm.at[pl.ds(wid * 16, 16)])
    pltpu.sync_copy(st_v.at[pl.ds(16, 16)],
                    out_hbm.at[pl.ds(512 + wid * 16, 16)])


_sc_call = pl.kernel(
    _sc_body,
    out_type=jax.ShapeDtypeStruct((1024,), jnp.float32),
    mesh=plsc.VectorSubcoreMesh(core_axis_name="c", subcore_axis_name="s"),
    scratch_types=[
        pltpu.VMEM((A_PER_W,), jnp.float32),
        pltpu.VMEM((4 * B_PER_W, 128), jnp.float32),
        pltpu.VMEM((4 * B_PER_W, 128), jnp.float32),
        pltpu.VMEM((32,), jnp.float32),
        pltpu.VMEM((32, 16), jnp.float32),
        pltpu.VMEM_SHARED((32, 16), jnp.float32),
    ],
    compiler_params=pltpu.CompilerParams(needs_layout_passes=False),
)



def _tc_body(ts_ref, os_ref, out_ref):
    ts = ts_ref[...]
    os_ = os_ref[...]
    valid = jnp.not_equal(ts, -1.0)
    eps = 1e-7
    p = jnp.clip(os_, eps, 1.0 - eps)
    bce = -(ts * jnp.log(p) + (1.0 - ts) * jnp.log(1.0 - p))
    bce_sum = jnp.sum(jnp.where(valid, bce, 0.0))
    vcount = jnp.sum(valid.astype(jnp.float32))
    out_ref[0, 0] = bce_sum / jnp.maximum(vcount, 1.0)


def kernel(target_deltas, target_scores, output_deltas, output_scores):
    td = target_deltas.reshape(ROWS, 128, 4).transpose(0, 2, 1).reshape(4 * ROWS, 128)
    od = output_deltas.reshape(ROWS, 128, 4).transpose(0, 2, 1).reshape(4 * ROWS, 128)

    parts = _sc_call(target_scores, td, od)

    a = pl.pallas_call(
        _tc_body,
        out_shape=jax.ShapeDtypeStruct((1, 1), jnp.float32),
        out_specs=pl.BlockSpec(memory_space=pltpu.SMEM),
    )(target_scores.reshape(ROWS, 128), output_scores.reshape(ROWS, 128))

    b = jnp.sum(parts[0:512]) / jnp.maximum(1e-7, jnp.sum(parts[512:1024]))
    return a[0, 0] + b

# --- scband reference (transcript-rebuilt; emitter-appended) ---
"""Pipeline reference for scband-rpn-78013785964546 (READ-ONLY COPY).

The authoritative reference and input builder live on the scoring server;
editing this copy changes nothing except your own understanding.
"""

import jax, jax.numpy as jnp
import numpy as np

N = 49152

def setup_inputs(seed: int = 0) -> dict:
    key = jax.random.key(seed)
    k1, k2, k3, k4 = jax.random.split(key, 4)
    target_deltas = jax.random.normal(k1, (1, N, 4), dtype=jnp.float32)
    target_scores = jax.random.randint(k2, (1, N), 0, 2).astype(jnp.float32)
    output_deltas = jax.random.normal(k3, (1, N, 4), dtype=jnp.float32)
    output_scores = jax.random.uniform(k4, (1, N), dtype=jnp.float32)
    return {
        "target_deltas": target_deltas,
        "target_scores": target_scores,
        "output_deltas": output_deltas,
        "output_scores": output_scores,
    }


def _classification_loss(target_scores, output_scores):
    # output_scores reshaped to (1, -1); gather of valid (!= -1) entries
    # expressed as a mask (jit-friendly, same math).
    out = jnp.reshape(output_scores, (1, -1))
    valid = jnp.not_equal(target_scores, -1.0)
    eps = 1e-7
    p = jnp.clip(out, eps, 1.0 - eps)
    bce = -(target_scores * jnp.log(p) + (1.0 - target_scores) * jnp.log(1.0 - p))
    vcount = jnp.sum(valid.astype(jnp.float32))
    return jnp.sum(jnp.where(valid, bce, 0.0)) / jnp.maximum(vcount, 1.0)


def _regression_loss(target_deltas, target_scores, output_deltas):
    od = jnp.reshape(output_deltas, (1, -1, 4))
    valid = jnp.not_equal(target_scores, -1.0)
    # p_star_i = 1 for positive anchors (score > 0), else 0; invalid masked out
    p_star = jnp.where(jnp.greater(target_scores, 0.0), 1.0, 0.0) * valid.astype(jnp.float32)
    difference = jnp.abs(od - target_deltas)
    q = 0.5 * jnp.square(difference)
    r = difference - 0.5
    sl1 = jnp.where(difference < 1.0, q, r)
    a_y = jnp.sum(sl1, axis=-1)  # anchored=True: sum over the 4 delta coords
    a = p_star * a_y
    weight = 1.0
    denom = jnp.maximum(1e-7, jnp.sum(p_star))
    return weight * (jnp.sum(a) / denom)


def reference(target_deltas, target_scores, output_deltas, output_scores):
    a = _classification_loss(target_scores, output_scores)
    b = _regression_loss(target_deltas, target_scores, output_deltas)
    weight = 1.0
    loss = weight * (a + b)
    return loss

if __name__ == "__main__":
    import jax
    _d = setup_inputs()
    print(jax.jit(kernel)(*tuple(_d.values())))

</pallas_src>

<mosaic_0001>
#map = affine_map<(d0, d1) -> (0, 0)>
#map1 = affine_map<(d0, d1) -> (0)>
module attributes {stable_mosaic.version = 14 : i64} {
  func.func @_sc_body(%arg0: i32, %arg1: i32, %arg2: memref<1x49152xf32, #tpu.memory_space<hbm>>, %arg3: memref<1536x128xf32, #tpu.memory_space<hbm>>, %arg4: memref<1536x128xf32, #tpu.memory_space<hbm>>, %arg5: memref<1024xf32, #tpu.memory_space<hbm>>, %arg6: memref<1536xf32, #tpu.memory_space<vmem>>, %arg7: memref<48x128xf32, #tpu.memory_space<vmem>>, %arg8: memref<48x128xf32, #tpu.memory_space<vmem>>, %arg9: memref<32xf32, #tpu.memory_space<vmem>>, %arg10: memref<32x16xf32, #tpu.memory_space<vmem>>, %arg11: memref<32x16xf32, #tpu.memory_space<vmem_shared>>) attributes {dimension_semantics = [#tpu.dimension_semantics<core_parallel>, #tpu.dimension_semantics<subcore_parallel>], iteration_bounds = array<i64: 2, 16>, scalar_prefetch = 0 : i64, scratch_operands = 6 : i64, tpu.core_type = #tpu.core_type<sc_vector_subcore>, window_params = [{transform_indices = #map}, {transform_indices = #map}, {transform_indices = #map}, {transform_indices = #map1}]} {
    %mul3A = arith.constant 2 : i32
    %mul3A_0 = arith.muli %arg1, %mul3A : i32
    %add3A = arith.addi %mul3A_0, %arg0 : i32
    %mul3A_1 = arith.constant 1536 : i32
    %mul3A_2 = arith.muli %add3A, %mul3A_1 : i32
    %run_scoped3A = arith.constant 0 : i32
    "tpu.region"() ({
      %run_scoped3A_26 = tpu.sem_alloc : memref<!tpu.dma_semaphore, #tpu.memory_space<semaphore_mem>>
      %dma_start3A = tpu.memref_slice %arg2[%run_scoped3A, %mul3A_2] : memref<1x49152xf32, #tpu.memory_space<hbm>> -> memref<1x1536xf32, #tpu.memory_space<hbm>>
      %dma_start3A_27 = tpu.memref_squeeze %dma_start3A : memref<1x1536xf32, #tpu.memory_space<hbm>> -> memref<1536xf32, #tpu.memory_space<hbm>>
      %dma_start3A_28 = tpu.memref_slice %arg2[%run_scoped3A, %mul3A_2] : memref<1x49152xf32, #tpu.memory_space<hbm>> -> memref<1x1536xf32, #tpu.memory_space<hbm>>
      %dma_start3A_29 = tpu.memref_squeeze %dma_start3A_28 : memref<1x1536xf32, #tpu.memory_space<hbm>> -> memref<1536xf32, #tpu.memory_space<hbm>>
      tpu.enqueue_dma source(%dma_start3A_29 : memref<1536xf32, #tpu.memory_space<hbm>>) target(%arg6 : memref<1536xf32, #tpu.memory_space<vmem>>) target_semaphore(%run_scoped3A_26 : memref<!tpu.dma_semaphore, #tpu.memory_space<semaphore_mem>>)
      %dma_wait3A = tpu.memref_slice %arg2[%run_scoped3A, %mul3A_2] : memref<1x49152xf32, #tpu.memory_space<hbm>> -> memref<1x1536xf32, #tpu.memory_space<hbm>>
      %dma_wait3A_30 = tpu.memref_squeeze %dma_wait3A : memref<1x1536xf32, #tpu.memory_space<hbm>> -> memref<1536xf32, #tpu.memory_space<hbm>>
      %dma_wait3A_31 = tpu.memref_slice %arg2[%run_scoped3A, %mul3A_2] : memref<1x49152xf32, #tpu.memory_space<hbm>> -> memref<1x1536xf32, #tpu.memory_space<hbm>>
      %dma_wait3A_32 = tpu.memref_squeeze %dma_wait3A_31 : memref<1x1536xf32, #tpu.memory_space<hbm>> -> memref<1536xf32, #tpu.memory_space<hbm>>
      tpu.wait_dma2 semaphore(%run_scoped3A_26 : memref<!tpu.dma_semaphore, #tpu.memory_space<semaphore_mem>>) src(%dma_wait3A_32 : memref<1536xf32, #tpu.memory_space<hbm>>) dst(%arg6 : memref<1536xf32, #tpu.memory_space<vmem>>)
      tpu.yield
    }) : () -> ()
    %mul3A_3 = arith.constant 4 : i32
    %mul3A_4 = arith.muli %add3A, %mul3A_3 : i32
    %mul3A_5 = arith.constant 12 : i32
    %mul3A_6 = arith.muli %mul3A_4, %mul3A_5 : i32
    "tpu.region"() ({
      %run_scoped3A_26 = tpu.sem_alloc : memref<!tpu.dma_semaphore, #tpu.memory_space<semaphore_mem>>
      %dma_start3A = arith.constant 0 : i32
      %dma_start3A_27 = tpu.memref_slice %arg3[%mul3A_6, %dma_start3A] : memref<1536x128xf32, #tpu.memory_space<hbm>> -> memref<48x128xf32, #tpu.memory_space<hbm>>
      %dma_start3A_28 = arith.constant 0 : i32
      %dma_start3A_29 = tpu.memref_slice %arg3[%mul3A_6, %dma_start3A_28] : memref<1536x128xf32, #tpu.memory_space<hbm>> -> memref<48x128xf32, #tpu.memory_space<hbm>>
      tpu.enqueue_dma source(%dma_start3A_29 : memref<48x128xf32, #tpu.memory_space<hbm>>) target(%arg7 : memref<48x128xf32, #tpu.memory_space<vmem>>) target_semaphore(%run_scoped3A_26 : memref<!tpu.dma_semaphore, #tpu.memory_space<semaphore_mem>>)
      %dma_wait3A = arith.constant 0 : i32
      %dma_wait3A_30 = tpu.memref_slice %arg3[%mul3A_6, %dma_wait3A] : memref<1536x128xf32, #tpu.memory_space<hbm>> -> memref<48x128xf32, #tpu.memory_space<hbm>>
      %dma_wait3A_31 = arith.constant 0 : i32
      %dma_wait3A_32 = tpu.memref_slice %arg3[%mul3A_6, %dma_wait3A_31] : memref<1536x128xf32, #tpu.memory_space<hbm>> -> memref<48x128xf32, #tpu.memory_space<hbm>>
      tpu.wait_dma2 semaphore(%run_scoped3A_26 : memref<!tpu.dma_semaphore, #tpu.memory_space<semaphore_mem>>) src(%dma_wait3A_32 : memref<48x128xf32, #tpu.memory_space<hbm>>) dst(%arg7 : memref<48x128xf32, #tpu.memory_space<vmem>>)
      tpu.yield
    }) : () -> ()
    %mul3A_7 = arith.constant 4 : i32
    %mul3A_8 = arith.muli %add3A, %mul3A_7 : i32
    %mul3A_9 = arith.constant 12 : i32
    %mul3A_10 = arith.muli %mul3A_8, %mul3A_9 : i32
    "tpu.region"() ({
      %run_scoped3A_26 = tpu.sem_alloc : memref<!tpu.dma_semaphore, #tpu.memory_space<semaphore_mem>>
      %dma_start3A = arith.constant 0 : i32
      %dma_start3A_27 = tpu.memref_slice %arg4[%mul3A_10, %dma_start3A] : memref<1536x128xf32, #tpu.memory_space<hbm>> -> memref<48x128xf32, #tpu.memory_space<hbm>>
      %dma_start3A_28 = arith.constant 0 : i32
      %dma_start3A_29 = tpu.memref_slice %arg4[%mul3A_10, %dma_start3A_28] : memref<1536x128xf32, #tpu.memory_space<hbm>> -> memref<48x128xf32, #tpu.memory_space<hbm>>
      tpu.enqueue_dma source(%dma_start3A_29 : memref<48x128xf32, #tpu.memory_space<hbm>>) target(%arg8 : memref<48x128xf32, #tpu.memory_space<vmem>>) target_semaphore(%run_scoped3A_26 : memref<!tpu.dma_semaphore, #tpu.memory_space<semaphore_mem>>)
      %dma_wait3A = arith.constant 0 : i32
      %dma_wait3A_30 = tpu.memref_slice %arg4[%mul3A_10, %dma_wait3A] : memref<1536x128xf32, #tpu.memory_space<hbm>> -> memref<48x128xf32, #tpu.memory_space<hbm>>
      %dma_wait3A_31 = arith.constant 0 : i32
      %dma_wait3A_32 = tpu.memref_slice %arg4[%mul3A_10, %dma_wait3A_31] : memref<1536x128xf32, #tpu.memory_space<hbm>> -> memref<48x128xf32, #tpu.memory_space<hbm>>
      tpu.wait_dma2 semaphore(%run_scoped3A_26 : memref<!tpu.dma_semaphore, #tpu.memory_space<semaphore_mem>>) src(%dma_wait3A_32 : memref<48x128xf32, #tpu.memory_space<hbm>>) dst(%arg8 : memref<48x128xf32, #tpu.memory_space<vmem>>)
      tpu.yield
    }) : () -> ()
    %broadcast_in_dim3A = arith.constant 0.000000e+00 : f32
    %broadcast_in_dim3A_11 = vector.broadcast %broadcast_in_dim3A : f32 to vector<16xf32>
    %scan3A = arith.constant 0 : i32
    %scan3A_12 = arith.constant 12 : i32
    %scan3A_13 = arith.addi %scan3A, %scan3A_12 : i32
    %scan3A_14 = arith.constant 1 : i32
    %scan3A_15:2 = scf.for %scan3A_26 = %scan3A to %scan3A_13 step %scan3A_14 iter_args(%scan3A_27 = %broadcast_in_dim3A_11, %scan3A_28 = %broadcast_in_dim3A_11) -> (vector<16xf32>, vector<16xf32>)  : i32 {
      %mul3A_29 = arith.constant 128 : i32
      %mul3A_30 = arith.muli %scan3A_26, %mul3A_29 : i32
      %add3A_31 = arith.constant 0 : i32
      %add3A_32 = arith.addi %mul3A_30, %add3A_31 : i32
      %get3A = arith.index_cast %add3A_32 : i32 to index
      %get3A_33 = tpu.vector_load %arg6[%get3A] {strides = array<i32>} : memref<1536xf32, #tpu.memory_space<vmem>>, vector<16xf32>,
      %ne3A = arith.constant -1.000000e+00 : f32
      %ne3A_34 = vector.broadcast %ne3A : f32 to vector<16xf32>
      %ne3A_35 = arith.cmpf one, %get3A_33, %ne3A_34 : vector<16xf32>
      %jit3A = arith.constant 1.000000e+00 : f32
      %jit3A_36 = arith.constant 0.000000e+00 : f32
      %broadcast_in_dim3A_37 = vector.broadcast %jit3A : f32 to vector<16xf32>
      %broadcast_in_dim3A_38 = vector.broadcast %jit3A_36 : f32 to vector<16xf32>
      %select_n3A = arith.select %ne3A_35, %broadcast_in_dim3A_37, %broadcast_in_dim3A_38 : vector<16xi1>, vector<16xf32>
      %gt3A = arith.constant 0.000000e+00 : f32
      %gt3A_39 = vector.broadcast %gt3A : f32 to vector<16xf32>
      %gt3A_40 = arith.cmpf ogt, %get3A_33, %gt3A_39 : vector<16xf32>
      %jit3A_41 = arith.constant 1.000000e+00 : f32
      %jit3A_42 = arith.constant 0.000000e+00 : f32
      %broadcast_in_dim3A_43 = vector.broadcast %jit3A_41 : f32 to vector<16xf32>
      %broadcast_in_dim3A_44 = vector.broadcast %jit3A_42 : f32 to vector<16xf32>
      %select_n3A_45 = arith.select %gt3A_40, %broadcast_in_dim3A_43, %broadcast_in_dim3A_44 : vector<16xi1>, vector<16xf32>
      %mul3A_46 = arith.mulf %select_n3A_45, %select_n3A : vector<16xf32>
      %mul3A_47 = arith.constant 4 : i32
      %mul3A_48 = arith.muli %mul3A_47, %scan3A_26 : i32
      %add3A_49 = arith.constant 0 : i32
      %add3A_50 = arith.addi %mul3A_48, %add3A_49 : i32
      %get3A_51 = arith.index_cast %add3A_50 : i32 to index
      %get3A_52 = arith.constant 0 : index
      %get3A_53 = tpu.vector_load %arg7[%get3A_51, %get3A_52] {strides = array<i32>} : memref<48x128xf32, #tpu.memory_space<vmem>>, vector<16xf32>,
      %mul3A_54 = arith.constant 4 : i32
      %mul3A_55 = arith.muli %mul3A_54, %scan3A_26 : i32
      %add3A_56 = arith.constant 0 : i32
      %add3A_57 = arith.addi %mul3A_55, %add3A_56 : i32
      %get3A_58 = arith.index_cast %add3A_57 : i32 to index
      %get3A_59 = arith.constant 0 : index
      %get3A_60 = tpu.vector_load %arg8[%get3A_58, %get3A_59] {strides = array<i32>} : memref<48x128xf32, #tpu.memory_space<vmem>>, vector<16xf32>,
      %sub3A = arith.subf %get3A_60, %get3A_53 : vector<16xf32>
      %abs3A = math.absf %sub3A : vector<16xf32>
      %lt3A = arith.constant 1.000000e+00 : f32
      %lt3A_61 = vector.broadcast %lt3A : f32 to vector<16xf32>
      %lt3A_62 = arith.cmpf olt, %abs3A, %lt3A_61 : vector<16xf32>
      %mul3A_63 = arith.constant 5.000000e-01 : f32
      %mul3A_64 = vector.broadcast %mul3A_63 : f32 to vector<16xf32>
      %mul3A_65 = arith.mulf %mul3A_64, %abs3A : vector<16xf32>
      %mul3A_66 = arith.mulf %mul3A_65, %abs3A : vector<16xf32>
      %sub3A_67 = arith.constant 5.000000e-01 : f32
      %sub3A_68 = vector.broadcast %sub3A_67 : f32 to vector<16xf32>
      %sub3A_69 = arith.subf %abs3A, %sub3A_68 : vector<16xf32>
      %select_n3A_70 = arith.select %lt3A_62, %mul3A_66, %sub3A_69 : vector<16xi1>, vector<16xf32>
      %add3A_71 = arith.addf %broadcast_in_dim3A_11, %select_n3A_70 : vector<16xf32>
      %mul3A_72 = arith.constant 4 : i32
      %mul3A_73 = arith.muli %mul3A_72, %scan3A_26 : i32
      %add3A_74 = arith.constant 1 : i32
      %add3A_75 = arith.addi %mul3A_73, %add3A_74 : i32
      %get3A_76 = arith.index_cast %add3A_75 : i32 to index
      %get3A_77 = arith.constant 0 : index
      %get3A_78 = tpu.vector_load %arg7[%get3A_76, %get3A_77] {strides = array<i32>} : memref<48x128xf32, #tpu.memory_space<vmem>>, vector<16xf32>,
      %mul3A_79 = arith.constant 4 : i32
      %mul3A_80 = arith.muli %mul3A_79, %scan3A_26 : i32
      %add3A_81 = arith.constant 1 : i32
      %add3A_82 = arith.addi %mul3A_80, %add3A_81 : i32
      %get3A_83 = arith.index_cast %add3A_82 : i32 to index
      %get3A_84 = arith.constant 0 : index
      %get3A_85 = tpu.vector_load %arg8[%get3A_83, %get3A_84] {strides = array<i32>} : memref<48x128xf32, #tpu.memory_space<vmem>>, vector<16xf32>,
      %sub3A_86 = arith.subf %get3A_85, %get3A_78 : vector<16xf32>
      %abs3A_87 = math.absf %sub3A_86 : vector<16xf32>
      %lt3A_88 = arith.constant 1.000000e+00 : f32
      %lt3A_89 = vector.broadcast %lt3A_88 : f32 to vector<16xf32>
      %lt3A_90 = arith.cmpf olt, %abs3A_87, %lt3A_89 : vector<16xf32>
      %mul3A_91 = arith.constant 5.000000e-01 : f32
      %mul3A_92 = vector.broadcast %mul3A_91 : f32 to vector<16xf32>
      %mul3A_93 = arith.mulf %mul3A_92, %abs3A_87 : vector<16xf32>
      %mul3A_94 = arith.mulf %mul3A_93, %abs3A_87 : vector<16xf32>
      %sub3A_95 = arith.constant 5.000000e-01 : f32
      %sub3A_96 = vector.broadcast %sub3A_95 : f32 to vector<16xf32>
      %sub3A_97 = arith.subf %abs3A_87, %sub3A_96 : vector<16xf32>
      %select_n3A_98 = arith.select %lt3A_90, %mul3A_94, %sub3A_97 : vector<16xi1>, vector<16xf32>
      %add3A_99 = arith.addf %add3A_71, %select_n3A_98 : vector<16xf32>
      %mul3A_100 = arith.constant 4 : i32
      %mul3A_101 = arith.muli %mul3A_100, %scan3A_26 : i32
      %add3A_102 = arith.constant 2 : i32
      %add3A_103 = arith.addi %mul3A_101, %add3A_102 : i32
      %get3A_104 = arith.index_cast %add3A_103 : i32 to index
      %get3A_105 = arith.constant 0 : index
      %get3A_106 = tpu.vector_load %arg7[%get3A_104, %get3A_105] {strides = array<i32>} : memref<48x128xf32, #tpu.memory_space<vmem>>, vector<16xf32>,
      %mul3A_107 = arith.constant 4 : i32
      %mul3A_108 = arith.muli %mul3A_107, %scan3A_26 : i32
      %add3A_109 = arith.constant 2 : i32
      %add3A_110 = arith.addi %mul3A_108, %add3A_109 : i32
      %get3A_111 = arith.index_cast %add3A_110 : i32 to index
      %get3A_112 = arith.constant 0 : index
      %get3A_113 = tpu.vector_load %arg8[%get3A_111, %get3A_112] {strides = array<i32>} : memref<48x128xf32, #tpu.memory_space<vmem>>, vector<16xf32>,
      %sub3A_114 = arith.subf %get3A_113, %get3A_106 : vector<16xf32>
      %abs3A_115 = math.absf %sub3A_114 : vector<16xf32>
      %lt3A_116 = arith.constant 1.000000e+00 : f32
      %lt3A_117 = vector.broadcast %lt3A_116 : f32 to vector<16xf32>
      %lt3A_118 = arith.cmpf olt, %abs3A_115, %lt3A_117 : vector<16xf32>
      %mul3A_119 = arith.constant 5.000000e-01 : f32
      %mul3A_120 = vector.broadcast %mul3A_119 : f32 to vector<16xf32>
      %mul3A_121 = arith.mulf %mul3A_120, %abs3A_115 : vector<16xf32>
      %mul3A_122 = arith.mulf %mul3A_121, %abs3A_115 : vector<16xf32>
      %sub3A_123 = arith.constant 5.000000e-01 : f32
      %sub3A_124 = vector.broadcast %sub3A_123 : f32 to vector<16xf32>
      %sub3A_125 = arith.subf %abs3A_115, %sub3A_124 : vector<16xf32>
      %select_n3A_126 = arith.select %lt3A_118, %mul3A_122, %sub3A_125 : vector<16xi1>, vector<16xf32>
      %add3A_127 = arith.addf %add3A_99, %select_n3A_126 : vector<16xf32>
      %mul3A_128 = arith.constant 4 : i32
      %mul3A_129 = arith.muli %mul3A_128, %scan3A_26 : i32
      %add3A_130 = arith.constant 3 : i32
      %add3A_131 = arith.addi %mul3A_129, %add3A_130 : i32
      %get3A_132 = arith.index_cast %add3A_131 : i32 to index
      %get3A_133 = arith.constant 0 : index
      %get3A_134 = tpu.vector_load %arg7[%get3A_132, %get3A_133] {strides = array<i32>} : memref<48x128xf32, #tpu.memory_space<vmem>>, vector<16xf32>,
      %mul3A_135 = arith.constant 4 : i32
      %mul3A_136 = arith.muli %mul3A_135, %scan3A_26 : i32
      %add3A_137 = arith.constant 3 : i32
      %add3A_138 = arith.addi %mul3A_136, %add3A_137 : i32
      %get3A_139 = arith.index_cast %add3A_138 : i32 to index
      %get3A_140 = arith.constant 0 : index
      %get3A_141 = tpu.vector_load %arg8[%get3A_139, %get3A_140] {strides = array<i32>} : memref<48x128xf32, #tpu.memory_space<vmem>>, vector<16xf32>,
      %sub3A_142 = arith.subf %get3A_141, %get3A_134 : vector<16xf32>
      %abs3A_143 = math.absf %sub3A_142 : vector<16xf32>
      %lt3A_144 = arith.constant 1.000000e+00 : f32
      %lt3A_145 = vector.broadcast %lt3A_144 : f32 to vector<16xf32>
      %lt3A_146 = arith.cmpf olt, %abs3A_143, %lt3A_145 : vector<16xf32>
      %mul3A_147 = arith.constant 5.000000e-01 : f32
      %mul3A_148 = vector.broadcast %mul3A_147 : f32 to vector<16xf32>
      %mul3A_149 = arith.mulf %mul3A_148, %abs3A_143 : vector<16xf32>
      %mul3A_150 = arith.mulf %mul3A_149, %abs3A_143 : vector<16xf32>
      %sub3A_151 = arith.constant 5.000000e-01 : f32
      %sub3A_152 = vector.broadcast %sub3A_151 : f32 to vector<16xf32>
      %sub3A_153 = arith.subf %abs3A_143, %sub3A_152 : vector<16xf32>
      %select_n3A_154 = arith.select %lt3A_146, %mul3A_150, %sub3A_153 : vector<16xi1>, vector<16xf32>
      %add3A_155 = arith.addf %add3A_127, %select_n3A_154 : vector<16xf32>
      %mul3A_156 = arith.mulf %mul3A_46, %add3A_155 : vector<16xf32>
      %add3A_157 = arith.addf %scan3A_27, %mul3A_156 : vector<16xf32>
      %add3A_158 = arith.addf %scan3A_28, %mul3A_46 : vector<16xf32>
      %mul3A_159 = arith.constant 128 : i32
      %mul3A_160 = arith.muli %scan3A_26, %mul3A_159 : i32
      %add3A_161 = arith.constant 16 : i32
      %add3A_162 = arith.addi %mul3A_160, %add3A_161 : i32
      %get3A_163 = arith.index_cast %add3A_162 : i32 to index
      %get3A_164 = tpu.vector_load %arg6[%get3A_163] {strides = array<i32>} : memref<1536xf32, #tpu.memory_space<vmem>>, vector<16xf32>,
      %ne3A_165 = arith.constant -1.000000e+00 : f32
      %ne3A_166 = vector.broadcast %ne3A_165 : f32 to vector<16xf32>
      %ne3A_167 = arith.cmpf one, %get3A_164, %ne3A_166 : vector<16xf32>
      %jit3A_168 = arith.constant 1.000000e+00 : f32
      %jit3A_169 = arith.constant 0.000000e+00 : f32
      %broadcast_in_dim3A_170 = vector.broadcast %jit3A_168 : f32 to vector<16xf32>
      %broadcast_in_dim3A_171 = vector.broadcast %jit3A_169 : f32 to vector<16xf32>
      %select_n3A_172 = arith.select %ne3A_167, %broadcast_in_dim3A_170, %broadcast_in_dim3A_171 : vector<16xi1>, vector<16xf32>
      %gt3A_173 = arith.constant 0.000000e+00 : f32
      %gt3A_174 = vector.broadcast %gt3A_173 : f32 to vector<16xf32>
      %gt3A_175 = arith.cmpf ogt, %get3A_164, %gt3A_174 : vector<16xf32>
      %jit3A_176 = arith.constant 1.000000e+00 : f32
      %jit3A_177 = arith.constant 0.000000e+00 : f32
      %broadcast_in_dim3A_178 = vector.broadcast %jit3A_176 : f32 to vector<16xf32>
      %broadcast_in_dim3A_179 = vector.broadcast %jit3A_177 : f32 to vector<16xf32>
      %select_n3A_180 = arith.select %gt3A_175, %broadcast_in_dim3A_178, %broadcast_in_dim3A_179 : vector<16xi1>, vector<16xf32>
      %mul3A_181 = arith.mulf %select_n3A_180, %select_n3A_172 : vector<16xf32>
      %mul3A_182 = arith.constant 4 : i32
      %mul3A_183 = arith.muli %mul3A_182, %scan3A_26 : i32
      %add3A_184 = arith.constant 0 : i32
      %add3A_185 = arith.addi %mul3A_183, %add3A_184 : i32
      %get3A_186 = arith.index_cast %add3A_185 : i32 to index
      %get3A_187 = arith.constant 16 : index
      %get3A_188 = tpu.vector_load %arg7[%get3A_186, %get3A_187] {strides = array<i32>} : memref<48x128xf32, #tpu.memory_space<vmem>>, vector<16xf32>,
      %mul3A_189 = arith.constant 4 : i32
      %mul3A_190 = arith.muli %mul3A_189, %scan3A_26 : i32
      %add3A_191 = arith.constant 0 : i32
      %add3A_192 = arith.addi %mul3A_190, %add3A_191 : i32
      %get3A_193 = arith.index_cast %add3A_192 : i32 to index
      %get3A_194 = arith.constant 16 : index
      %get3A_195 = tpu.vector_load %arg8[%get3A_193, %get3A_194] {strides = array<i32>} : memref<48x128xf32, #tpu.memory_space<vmem>>, vector<16xf32>,
      %sub3A_196 = arith.subf %get3A_195, %get3A_188 : vector<16xf32>
      %abs3A_197 = math.absf %sub3A_196 : vector<16xf32>
      %lt3A_198 = arith.constant 1.000000e+00 : f32
      %lt3A_199 = vector.broadcast %lt3A_198 : f32 to vector<16xf32>
      %lt3A_200 = arith.cmpf olt, %abs3A_197, %lt3A_199 : vector<16xf32>
      %mul3A_201 = arith.constant 5.000000e-01 : f32
      %mul3A_202 = vector.broadcast %mul3A_201 : f32 to vector<16xf32>
      %mul3A_203 = arith.mulf %mul3A_202, %abs3A_197 : vector<16xf32>
      %mul3A_204 = arith.mulf %mul3A_203, %abs3A_197 : vector<16xf32>
      %sub3A_205 = arith.constant 5.000000e-01 : f32
      %sub3A_206 = vector.broadcast %sub3A_205 : f32 to vector<16xf32>
      %sub3A_207 = arith.subf %abs3A_197, %sub3A_206 : vector<16xf32>
      %select_n3A_208 = arith.select %lt3A_200, %mul3A_204, %sub3A_207 : vector<16xi1>, vector<16xf32>
      %add3A_209 = arith.addf %broadcast_in_dim3A_11, %select_n3A_208 : vector<16xf32>
      %mul3A_210 = arith.constant 4 : i32
      %mul3A_211 = arith.muli %mul3A_210, %scan3A_26 : i32
      %add3A_212 = arith.constant 1 : i32
      %add3A_213 = arith.addi %mul3A_211, %add3A_212 : i32
      %get3A_214 = arith.index_cast %add3A_213 : i32 to index
      %get3A_215 = arith.constant 16 : index
      %get3A_216 = tpu.vector_load %arg7[%get3A_214, %get3A_215] {strides = array<i32>} : memref<48x128xf32, #tpu.memory_space<vmem>>, vector<16xf32>,
      %mul3A_217 = arith.constant 4 : i32
      %mul3A_218 = arith.muli %mul3A_217, %scan3A_26 : i32
      %add3A_219 = arith.constant 1 : i32
      %add3A_220 = arith.addi %mul3A_218, %add3A_219 : i32
      %get3A_221 = arith.index_cast %add3A_220 : i32 to index
      %get3A_222 = arith.constant 16 : index
      %get3A_223 = tpu.vector_load %arg8[%get3A_221, %get3A_222] {strides = array<i32>} : memref<48x128xf32, #tpu.memory_space<vmem>>, vector<16xf32>,
      %sub3A_224 = arith.subf %get3A_223, %get3A_216 : vector<16xf32>
      %abs3A_225 = math.absf %sub3A_224 : vector<16xf32>
      %lt3A_226 = arith.constant 1.000000e+00 : f32
      %lt3A_227 = vector.broadcast %lt3A_226 : f32 to vector<16xf32>
      %lt3A_228 = arith.cmpf olt, %abs3A_225, %lt3A_227 : vector<16xf32>
      %mul3A_229 = arith.constant 5.000000e-01 : f32
      %mul3A_230 = vector.broadcast %mul3A_229 : f32 to vector<16xf32>
      %mul3A_231 = arith.mulf %mul3A_230, %abs3A_225 : vector<16xf32>
      %mul3A_232 = arith.mulf %mul3A_231, %abs3A_225 : vector<16xf32>
      %sub3A_233 = arith.constant 5.000000e-01 : f32
      %sub3A_234 = vector.broadcast %sub3A_233 : f32 to vector<16xf32>
      %sub3A_235 = arith.subf %abs3A_225, %sub3A_234 : vector<16xf32>
      %select_n3A_236 = arith.select %lt3A_228, %mul3A_232, %sub3A_235 : vector<16xi1>, vector<16xf32>
      %add3A_237 = arith.addf %add3A_209, %select_n3A_236 : vector<16xf32>
      %mul3A_238 = arith.constant 4 : i32
      %mul3A_239 = arith.muli %mul3A_238, %scan3A_26 : i32
      %add3A_240 = arith.constant 2 : i32
      %add3A_241 = arith.addi %mul3A_239, %add3A_240 : i32
      %get3A_242 = arith.index_cast %add3A_241 : i32 to index
      %get3A_243 = arith.constant 16 : index
      %get3A_244 = tpu.vector_load %arg7[%get3A_242, %get3A_243] {strides = array<i32>} : memref<48x128xf32, #tpu.memory_space<vmem>>, vector<16xf32>,
      %mul3A_245 = arith.constant 4 : i32
      %mul3A_246 = arith.muli %mul3A_245, %scan3A_26 : i32
      %add3A_247 = arith.constant 2 : i32
      %add3A_248 = arith.addi %mul3A_246, %add3A_247 : i32
      %get3A_249 = arith.index_cast %add3A_248 : i32 to index
      %get3A_250 = arith.constant 16 : index
      %get3A_251 = tpu.vector_load %arg8[%get3A_249, %get3A_250] {strides = array<i32>} : memref<48x128xf32, #tpu.memory_space<vmem>>, vector<16xf32>,
      %sub3A_252 = arith.subf %get3A_251, %get3A_244 : vector<16xf32>
      %abs3A_253 = math.absf %sub3A_252 : vector<16xf32>
      %lt3A_254 = arith.constant 1.000000e+00 : f32
      %lt3A_255 = vector.broadcast %lt3A_254 : f32 to vector<16xf32>
      %lt3A_256 = arith.cmpf olt, %abs3A_253, %lt3A_255 : vector<16xf32>
      %mul3A_257 = arith.constant 5.000000e-01 : f32
      %mul3A_258 = vector.broadcast %mul3A_257 : f32 to vector<16xf32>
      %mul3A_259 = arith.mulf %mul3A_258, %abs3A_253 : vector<16xf32>
      %mul3A_260 = arith.mulf %mul3A_259, %abs3A_253 : vector<16xf32>
      %sub3A_261 = arith.constant 5.000000e-01 : f32
      %sub3A_262 = vector.broadcast %sub3A_261 : f32 to vector<16xf32>
      %sub3A_263 = arith.subf %abs3A_253, %sub3A_262 : vector<16xf32>
      %select_n3A_264 = arith.select %lt3A_256, %mul3A_260, %sub3A_263 : vector<16xi1>, vector<16xf32>
      %add3A_265 = arith.addf %add3A_237, %select_n3A_264 : vector<16xf32>
      %mul3A_266 = arith.constant 4 : i32
      %mul3A_267 = arith.muli %mul3A_266, %scan3A_26 : i32
      %add3A_268 = arith.constant 3 : i32
      %add3A_269 = arith.addi %mul3A_267, %add3A_268 : i32
      %get3A_270 = arith.index_cast %add3A_269 : i32 to index
      %get3A_271 = arith.constant 16 : index
      %get3A_272 = tpu.vector_load %arg7[%get3A_270, %get3A_271] {strides = array<i32>} : memref<48x128xf32, #tpu.memory_space<vmem>>, vector<16xf32>,
      %mul3A_273 = arith.constant 4 : i32
      %mul3A_274 = arith.muli %mul3A_273, %scan3A_26 : i32
      %add3A_275 = arith.constant 3 : i32
      %add3A_276 = arith.addi %mul3A_274, %add3A_275 : i32
      %get3A_277 = arith.index_cast %add3A_276 : i32 to index
      %get3A_278 = arith.constant 16 : index
      %get3A_279 = tpu.vector_load %arg8[%get3A_277, %get3A_278] {strides = array<i32>} : memref<48x128xf32, #tpu.memory_space<vmem>>, vector<16xf32>,
      %sub3A_280 = arith.subf %get3A_279, %get3A_272 : vector<16xf32>
      %abs3A_281 = math.absf %sub3A_280 : vector<16xf32>
      %lt3A_282 = arith.constant 1.000000e+00 : f32
      %lt3A_283 = vector.broadcast %lt3A_282 : f32 to vector<16xf32>
      %lt3A_284 = arith.cmpf olt, %abs3A_281, %lt3A_283 : vector<16xf32>
      %mul3A_285 = arith.constant 5.000000e-01 : f32
      %mul3A_286 = vector.broadcast %mul3A_285 : f32 to vector<16xf32>
      %mul3A_287 = arith.mulf %mul3A_286, %abs3A_281 : vector<16xf32>
      %mul3A_288 = arith.mulf %mul3A_287, %abs3A_281 : vector<16xf32>
      %sub3A_289 = arith.constant 5.000000e-01 : f32
      %sub3A_290 = vector.broadcast %sub3A_289 : f32 to vector<16xf32>
      %sub3A_291 = arith.subf %abs3A_281, %sub3A_290 : vector<16xf32>
      %select_n3A_292 = arith.select %lt3A_284, %mul3A_288, %sub3A_291 : vector<16xi1>, vector<16xf32>
      %add3A_293 = arith.addf %add3A_265, %select_n3A_292 : vector<16xf32>
      %mul3A_294 = arith.mulf %mul3A_181, %add3A_293 : vector<16xf32>
      %add3A_295 = arith.addf %add3A_157, %mul3A_294 : vector<16xf32>
      %add3A_296 = arith.addf %add3A_158, %mul3A_181 : vector<16xf32>
      %mul3A_297 = arith.constant 128 : i32
      %mul3A_298 = arith.muli %scan3A_26, %mul3A_297 : i32
      %add3A_299 = arith.constant 32 : i32
      %add3A_300 = arith.addi %mul3A_298, %add3A_299 : i32
      %get3A_301 = arith.index_cast %add3A_300 : i32 to index
      %get3A_302 = tpu.vector_load %arg6[%get3A_301] {strides = array<i32>} : memref<1536xf32, #tpu.memory_space<vmem>>, vector<16xf32>,
      %ne3A_303 = arith.constant -1.000000e+00 : f32
      %ne3A_304 = vector.broadcast %ne3A_303 : f32 to vector<16xf32>
      %ne3A_305 = arith.cmpf one, %get3A_302, %ne3A_304 : vector<16xf32>
      %jit3A_306 = arith.constant 1.000000e+00 : f32
      %jit3A_307 = arith.constant 0.000000e+00 : f32
      %broadcast_in_dim3A_308 = vector.broadcast %jit3A_306 : f32 to vector<16xf32>
      %broadcast_in_dim3A_309 = vector.broadcast %jit3A_307 : f32 to vector<16xf32>
      %select_n3A_310 = arith.select %ne3A_305, %broadcast_in_dim3A_308, %broadcast_in_dim3A_309 : vector<16xi1>, vector<16xf32>
      %gt3A_311 = arith.constant 0.000000e+00 : f32
      %gt3A_312 = vector.broadcast %gt3A_311 : f32 to vector<16xf32>
      %gt3A_313 = arith.cmpf ogt, %get3A_302, %gt3A_312 : vector<16xf32>
      %jit3A_314 = arith.constant 1.000000e+00 : f32
      %jit3A_315 = arith.constant 0.000000e+00 : f32
      %broadcast_in_dim3A_316 = vector.broadcast %jit3A_314 : f32 to vector<16xf32>
      %broadcast_in_dim3A_317 = vector.broadcast %jit3A_315 : f32 to vector<16xf32>
      %select_n3A_318 = arith.select %gt3A_313, %broadcast_in_dim3A_316, %broadcast_in_dim3A_317 : vector<16xi1>, vector<16xf32>
      %mul3A_319 = arith.mulf %select_n3A_318, %select_n3A_310 : vector<16xf32>
      %mul3A_320 = arith.constant 4 : i32
      %mul3A_321 = arith.muli %mul3A_320, %scan3A_26 : i32
      %add3A_322 = arith.constant 0 : i32
      %add3A_323 = arith.addi %mul3A_321, %add3A_322 : i32
      %get3A_324 = arith.index_cast %add3A_323 : i32 to index
      %get3A_325 = arith.constant 32 : index
      %get3A_326 = tpu.vector_load %arg7[%get3A_324, %get3A_325] {strides = array<i32>} : memref<48x128xf32, #tpu.memory_space<vmem>>, vector<16xf32>,
      %mul3A_327 = arith.constant 4 : i32
      %mul3A_328 = arith.muli %mul3A_327, %scan3A_26 : i32
      %add3A_329 = arith.constant 0 : i32
      %add3A_330 = arith.addi %mul3A_328, %add3A_329 : i32
      %get3A_331 = arith.index_cast %add3A_330 : i32 to index
      %get3A_332 = arith.constant 32 : index
      %get3A_333 = tpu.vector_load %arg8[%get3A_331, %get3A_332] {strides = array<i32>} : memref<48x128xf32, #tpu.memory_space<vmem>>, vector<16xf32>,
      %sub3A_334 = arith.subf %get3A_333, %get3A_326 : vector<16xf32>
      %abs3A_335 = math.absf %sub3A_334 : vector<16xf32>
      %lt3A_336 = arith.constant 1.000000e+00 : f32
      %lt3A_337 = vector.broadcast %lt3A_336 : f32 to vector<16xf32>
      %lt3A_338 = arith.cmpf olt, %abs3A_335, %lt3A_337 : vector<16xf32>
      %mul3A_339 = arith.constant 5.000000e-01 : f32
      %mul3A_340 = vector.broadcast %mul3A_339 : f32 to vector<16xf32>
      %mul3A_341 = arith.mulf %mul3A_340, %abs3A_335 : vector<16xf32>
      %mul3A_342 = arith.mulf %mul3A_341, %abs3A_335 : vector<16xf32>
      %sub3A_343 = arith.constant 5.000000e-01 : f32
      %sub3A_344 = vector.broadcast %sub3A_343 : f32 to vector<16xf32>
      %sub3A_345 = arith.subf %abs3A_335, %sub3A_344 : vector<16xf32>
      %select_n3A_346 = arith.select %lt3A_338, %mul3A_342, %sub3A_345 : vector<16xi1>, vector<16xf32>
      %add3A_347 = arith.addf %broadcast_in_dim3A_11, %select_n3A_346 : vector<16xf32>
      %mul3A_348 = arith.constant 4 : i32
      %mul3A_349 = arith.muli %mul3A_348, %scan3A_26 : i32
      %add3A_350 = arith.constant 1 : i32
      %add3A_351 = arith.addi %mul3A_349, %add3A_350 : i32
      %get3A_352 = arith.index_cast %add3A_351 : i32 to index
      %get3A_353 = arith.constant 32 : index
      %get3A_354 = tpu.vector_load %arg7[%get3A_352, %get3A_353] {strides = array<i32>} : memref<48x128xf32, #tpu.memory_space<vmem>>, vector<16xf32>,
      %mul3A_355 = arith.constant 4 : i32
      %mul3A_356 = arith.muli %mul3A_355, %scan3A_26 : i32
      %add3A_357 = arith.constant 1 : i32
      %add3A_358 = arith.addi %mul3A_356, %add3A_357 : i32
      %get3A_359 = arith.index_cast %add3A_358 : i32 to index
      %get3A_360 = arith.constant 32 : index
      %get3A_361 = tpu.vector_load %arg8[%get3A_359, %get3A_360] {strides = array<i32>} : memref<48x128xf32, #tpu.memory_space<vmem>>, vector<16xf32>,
      %sub3A_362 = arith.subf %get3A_361, %get3A_354 : vector<16xf32>
      %abs3A_363 = math.absf %sub3A_362 : vector<16xf32>
      %lt3A_364 = arith.constant 1.000000e+00 : f32
      %lt3A_365 = vector.broadcast %lt3A_364 : f32 to vector<16xf32>
      %lt3A_366 = arith.cmpf olt, %abs3A_363, %lt3A_365 : vector<16xf32>
      %mul3A_367 = arith.constant 5.000000e-01 : f32
      %mul3A_368 = vector.broadcast %mul3A_367 : f32 to vector<16xf32>
      %mul3A_369 = arith.mulf %mul3A_368, %abs3A_363 : vector<16xf32>
      %mul3A_370 = arith.mulf %mul3A_369, %abs3A_363 : vector<16xf32>
      %sub3A_371 = arith.constant 5.000000e-01 : f32
      %sub3A_372 = vector.broadcast %sub3A_371 : f32 to vector<16xf32>
      %sub3A_373 = arith.subf %abs3A_363, %sub3A_372 : vector<16xf32>
      %select_n3A_374 = arith.select %lt3A_366, %mul3A_370, %sub3A_373 : vector<16xi1>, vector<16xf32>
      %add3A_375 = arith.addf %add3A_347, %select_n3A_374 : vector<16xf32>
      %mul3A_376 = arith.constant 4 : i32
      %mul3A_377 = arith.muli %mul3A_376, %scan3A_26 : i32
      %add3A_378 = arith.constant 2 : i32
      %add3A_379 = arith.addi %mul3A_377, %add3A_378 : i32
      %get3A_380 = arith.index_cast %add3A_379 : i32 to index
      %get3A_381 = arith.constant 32 : index
      %get3A_382 = tpu.vector_load %arg7[%get3A_380, %get3A_381] {strides = array<i32>} : memref<48x128xf32, #tpu.memory_space<vmem>>, vector<16xf32>,
      %mul3A_383 = arith.constant 4 : i32
      %mul3A_384 = arith.muli %mul3A_383, %scan3A_26 : i32
      %add3A_385 = arith.constant 2 : i32
      %add3A_386 = arith.addi %mul3A_384, %add3A_385 : i32
      %get3A_387 = arith.index_cast %add3A_386 : i32 to index
      %get3A_388 = arith.constant 32 : index
      %get3A_389 = tpu.vector_load %arg8[%get3A_387, %get3A_388] {strides = array<i32>} : memref<48x128xf32, #tpu.memory_space<vmem>>, vector<16xf32>,
      %sub3A_390 = arith.subf %get3A_389, %get3A_382 : vector<16xf32>
      %abs3A_391 = math.absf %sub3A_390 : vector<16xf32>
      %lt3A_392 = arith.constant 1.000000e+00 : f32
      %lt3A_393 = vector.broadcast %lt3A_392 : f32 to vector<16xf32>
      %lt3A_394 = arith.cmpf olt, %abs3A_391, %lt3A_393 : vector<16xf32>
      %mul3A_395 = arith.constant 5.000000e-01 : f32
      %mul3A_396 = vector.broadcast %mul3A_395 : f32 to vector<16xf32>
      %mul3A_397 = arith.mulf %mul3A_396, %abs3A_391 : vector<16xf32>
      %mul3A_398 = arith.mulf %mul3A_397, %abs3A_391 : vector<16xf32>
      %sub3A_399 = arith.constant 5.000000e-01 : f32
      %sub3A_400 = vector.broadcast %sub3A_399 : f32 to vector<16xf32>
      %sub3A_401 = arith.subf %abs3A_391, %sub3A_400 : vector<16xf32>
      %select_n3A_402 = arith.select %lt3A_394, %mul3A_398, %sub3A_401 : vector<16xi1>, vector<16xf32>
      %add3A_403 = arith.addf %add3A_375, %select_n3A_402 : vector<16xf32>
      %mul3A_404 = arith.constant 4 : i32
      %mul3A_405 = arith.muli %mul3A_404, %scan3A_26 : i32
      %add3A_406 = arith.constant 3 : i32
      %add3A_407 = arith.addi %mul3A_405, %add3A_406 : i32
      %get3A_408 = arith.index_cast %add3A_407 : i32 to index
      %get3A_409 = arith.constant 32 : index
      %get3A_410 = tpu.vector_load %arg7[%get3A_408, %get3A_409] {strides = array<i32>} : memref<48x128xf32, #tpu.memory_space<vmem>>, vector<16xf32>,
      %mul3A_411 = arith.constant 4 : i32
      %mul3A_412 = arith.muli %mul3A_411, %scan3A_26 : i32
      %add3A_413 = arith.constant 3 : i32
      %add3A_414 = arith.addi %mul3A_412, %add3A_413 : i32
      %get3A_415 = arith.index_cast %add3A_414 : i32 to index
      %get3A_416 = arith.constant 32 : index
      %get3A_417 = tpu.vector_load %arg8[%get3A_415, %get3A_416] {strides = array<i32>} : memref<48x128xf32, #tpu.memory_space<vmem>>, vector<16xf32>,
      %sub3A_418 = arith.subf %get3A_417, %get3A_410 : vector<16xf32>
      %abs3A_419 = math.absf %sub3A_418 : vector<16xf32>
      %lt3A_420 = arith.constant 1.000000e+00 : f32
      %lt3A_421 = vector.broadcast %lt3A_420 : f32 to vector<16xf32>
      %lt3A_422 = arith.cmpf olt, %abs3A_419, %lt3A_421 : vector<16xf32>
      %mul3A_423 = arith.constant 5.000000e-01 : f32
      %mul3A_424 = vector.broadcast %mul3A_423 : f32 to vector<16xf32>
      %mul3A_425 = arith.mulf %mul3A_424, %abs3A_419 : vector<16xf32>
      %mul3A_426 = arith.mulf %mul3A_425, %abs3A_419 : vector<16xf32>
      %sub3A_427 = arith.constant 5.000000e-01 : f32
      %sub3A_428 = vector.broadcast %sub3A_427 : f32 to vector<16xf32>
      %sub3A_429 = arith.subf %abs3A_419, %sub3A_428 : vector<16xf32>
      %select_n3A_430 = arith.select %lt3A_422, %mul3A_426, %sub3A_429 : vector<16xi1>, vector<16xf32>
      %add3A_431 = arith.addf %add3A_403, %select_n3A_430 : vector<16xf32>
      %mul3A_432 = arith.mulf %mul3A_319, %add3A_431 : vector<16xf32>
      %add3A_433 = arith.addf %add3A_295, %mul3A_432 : vector<16xf32>
      %add3A_434 = arith.addf %add3A_296, %mul3A_319 : vector<16xf32>
      %mul3A_435 = arith.constant 128 : i32
      %mul3A_436 = arith.muli %scan3A_26, %mul3A_435 : i32
      %add3A_437 = arith.constant 48 : i32
      %add3A_438 = arith.addi %mul3A_436, %add3A_437 : i32
      %get3A_439 = arith.index_cast %add3A_438 : i32 to index
      %get3A_440 = tpu.vector_load %arg6[%get3A_439] {strides = array<i32>} : memref<1536xf32, #tpu.memory_space<vmem>>, vector<16xf32>,
      %ne3A_441 = arith.constant -1.000000e+00 : f32
      %ne3A_442 = vector.broadcast %ne3A_441 : f32 to vector<16xf32>
      %ne3A_443 = arith.cmpf one, %get3A_440, %ne3A_442 : vector<16xf32>
      %jit3A_444 = arith.constant 1.000000e+00 : f32
      %jit3A_445 = arith.constant 0.000000e+00 : f32
      %broadcast_in_dim3A_446 = vector.broadcast %jit3A_444 : f32 to vector<16xf32>
      %broadcast_in_dim3A_447 = vector.broadcast %jit3A_445 : f32 to vector<16xf32>
      %select_n3A_448 = arith.select %ne3A_443, %broadcast_in_dim3A_446, %broadcast_in_dim3A_447 : vector<16xi1>, vector<16xf32>
      %gt3A_449 = arith.constant 0.000000e+00 : f32
      %gt3A_450 = vector.broadcast %gt3A_449 : f32 to vector<16xf32>
      %gt3A_451 = arith.cmpf ogt, %get3A_440, %gt3A_450 : vector<16xf32>
      %jit3A_452 = arith.constant 1.000000e+00 : f32
      %jit3A_453 = arith.constant 0.000000e+00 : f32
      %broadcast_in_dim3A_454 = vector.broadcast %jit3A_452 : f32 to vector<16xf32>
      %broadcast_in_dim3A_455 = vector.broadcast %jit3A_453 : f32 to vector<16xf32>
      %select_n3A_456 = arith.select %gt3A_451, %broadcast_in_dim3A_454, %broadcast_in_dim3A_455 : vector<16xi1>, vector<16xf32>
      %mul3A_457 = arith.mulf %select_n3A_456, %select_n3A_448 : vector<16xf32>
      %mul3A_458 = arith.constant 4 : i32
      %mul3A_459 = arith.muli %mul3A_458, %scan3A_26 : i32
      %add3A_460 = arith.constant 0 : i32
      %add3A_461 = arith.addi %mul3A_459, %add3A_460 : i32
      %get3A_462 = arith.index_cast %add3A_461 : i32 to index
      %get3A_463 = arith.constant 48 : index
      %get3A_464 = tpu.vector_load %arg7[%get3A_462, %get3A_463] {strides = array<i32>} : memref<48x128xf32, #tpu.memory_space<vmem>>, vector<16xf32>,
      %mul3A_465 = arith.constant 4 : i32
      %mul3A_466 = arith.muli %mul3A_465, %scan3A_26 : i32
      %add3A_467 = arith.constant 0 : i32
      %add3A_468 = arith.addi %mul3A_466, %add3A_467 : i32
      %get3A_469 = arith.index_cast %add3A_468 : i32 to index
      %get3A_470 = arith.constant 48 : index
      %get3A_471 = tpu.vector_load %arg8[%get3A_469, %get3A_470] {strides = array<i32>} : memref<48x128xf32, #tpu.memory_space<vmem>>, vector<16xf32>,
      %sub3A_472 = arith.subf %get3A_471, %get3A_464 : vector<16xf32>
      %abs3A_473 = math.absf %sub3A_472 : vector<16xf32>
      %lt3A_474 = arith.constant 1.000000e+00 : f32
      %lt3A_475 = vector.broadcast %lt3A_474 : f32 to vector<16xf32>
      %lt3A_476 = arith.cmpf olt, %abs3A_473, %lt3A_475 : vector<16xf32>
      %mul3A_477 = arith.constant 5.000000e-01 : f32
      %mul3A_478 = vector.broadcast %mul3A_477 : f32 to vector<16xf32>
      %mul3A_479 = arith.mulf %mul3A_478, %abs3A_473 : vector<16xf32>
      %mul3A_480 = arith.mulf %mul3A_479, %abs3A_473 : vector<16xf32>
      %sub3A_481 = arith.constant 5.000000e-01 : f32
      %sub3A_482 = vector.broadcast %sub3A_481 : f32 to vector<16xf32>
      %sub3A_483 = arith.subf %abs3A_473, %sub3A_482 : vector<16xf32>
      %select_n3A_484 = arith.select %lt3A_476, %mul3A_480, %sub3A_483 : vector<16xi1>, vector<16xf32>
      %add3A_485 = arith.addf %broadcast_in_dim3A_11, %select_n3A_484 : vector<16xf32>
      %mul3A_486 = arith.constant 4 : i32
      %mul3A_487 = arith.muli %mul3A_486, %scan3A_26 : i32
      %add3A_488 = arith.constant 1 : i32
      %add3A_489 = arith.addi %mul3A_487, %add3A_488 : i32
      %get3A_490 = arith.index_cast %add3A_489 : i32 to index
      %get3A_491 = arith.constant 48 : index
      %get3A_492 = tpu.vector_load %arg7[%get3A_490, %get3A_491] {strides = array<i32>} : memref<48x128xf32, #tpu.memory_space<vmem>>, vector<16xf32>,
      %mul3A_493 = arith.constant 4 : i32
      %mul3A_494 = arith.muli %mul3A_493, %scan3A_26 : i32
      %add3A_495 = arith.constant 1 : i32
      %add3A_496 = arith.addi %mul3A_494, %add3A_495 : i32
      %get3A_497 = arith.index_cast %add3A_496 : i32 to index
      %get3A_498 = arith.constant 48 : index
      %get3A_499 = tpu.vector_load %arg8[%get3A_497, %get3A_498] {strides = array<i32>} : memref<48x128xf32, #tpu.memory_space<vmem>>, vector<16xf32>,
      %sub3A_500 = arith.subf %get3A_499, %get3A_492 : vector<16xf32>
      %abs3A_501 = math.absf %sub3A_500 : vector<16xf32>
      %lt3A_502 = arith.constant 1.000000e+00 : f32
      %lt3A_503 = vector.broadcast %lt3A_502 : f32 to vector<16xf32>
      %lt3A_504 = arith.cmpf olt, %abs3A_501, %lt3A_503 : vector<16xf32>
      %mul3A_505 = arith.constant 5.000000e-01 : f32
      %mul3A_506 = vector.broadcast %mul3A_505 : f32 to vector<16xf32>
      %mul3A_507 = arith.mulf %mul3A_506, %abs3A_501 : vector<16xf32>
      %mul3A_508 = arith.mulf %mul3A_507, %abs3A_501 : vector<16xf32>
      %sub3A_509 = arith.constant 5.000000e-01 : f32
      %sub3A_510 = vector.broadcast %sub3A_509 : f32 to vector<16xf32>
      %sub3A_511 = arith.subf %abs3A_501, %sub3A_510 : vector<16xf32>
      %select_n3A_512 = arith.select %lt3A_504, %mul3A_508, %sub3A_511 : vector<16xi1>, vector<16xf32>
      %add3A_513 = arith.addf %add3A_485, %select_n3A_512 : vector<16xf32>
      %mul3A_514 = arith.constant 4 : i32
      %mul3A_515 = arith.muli %mul3A_514, %scan3A_26 : i32
      %add3A_516 = arith.constant 2 : i32
      %add3A_517 = arith.addi %mul3A_515, %add3A_516 : i32
      %get3A_518 = arith.index_cast %add3A_517 : i32 to index
      %get3A_519 = arith.constant 48 : index
      %get3A_520 = tpu.vector_load %arg7[%get3A_518, %get3A_519] {strides = array<i32>} : memref<48x128xf32, #tpu.memory_space<vmem>>, vector<16xf32>,
      %mul3A_521 = arith.constant 4 : i32
      %mul3A_522 = arith.muli %mul3A_521, %scan3A_26 : i32
      %add3A_523 = arith.constant 2 : i32
      %add3A_524 = arith.addi %mul3A_522, %add3A_523 : i32
      %get3A_525 = arith.index_cast %add3A_524 : i32 to index
      %get3A_526 = arith.constant 48 : index
      %get3A_527 = tpu.vector_load %arg8[%get3A_525, %get3A_526] {strides = array<i32>} : memref<48x128xf32, #tpu.memory_space<vmem>>, vector<16xf32>,
      %sub3A_528 = arith.subf %get3A_527, %get3A_520 : vector<16xf32>
      %abs3A_529 = math.absf %sub3A_528 : vector<16xf32>
      %lt3A_530 = arith.constant 1.000000e+00 : f32
      %lt3A_531 = vector.broadcast %lt3A_530 : f32 to vector<16xf32>
      %lt3A_532 = arith.cmpf olt, %abs3A_529, %lt3A_531 : vector<16xf32>
      %mul3A_533 = arith.constant 5.000000e-01 : f32
      %mul3A_534 = vector.broadcast %mul3A_533 : f32 to vector<16xf32>
      %mul3A_535 = arith.mulf %mul3A_534, %abs3A_529 : vector<16xf32>
      %mul3A_536 = arith.mulf %mul3A_535, %abs3A_529 : vector<16xf32>
      %sub3A_537 = arith.constant 5.000000e-01 : f32
      %sub3A_538 = vector.broadcast %sub3A_537 : f32 to vector<16xf32>
      %sub3A_539 = arith.subf %abs3A_529, %sub3A_538 : vector<16xf32>
      %select_n3A_540 = arith.select %lt3A_532, %mul3A_536, %sub3A_539 : vector<16xi1>, vector<16xf32>
      %add3A_541 = arith.addf %add3A_513, %select_n3A_540 : vector<16xf32>
      %mul3A_542 = arith.constant 4 : i32
      %mul3A_543 = arith.muli %mul3A_542, %scan3A_26 : i32
      %add3A_544 = arith.constant 3 : i32
      %add3A_545 = arith.addi %mul3A_543, %add3A_544 : i32
      %get3A_546 = arith.index_cast %add3A_545 : i32 to index
      %get3A_547 = arith.constant 48 : index
      %get3A_548 = tpu.vector_load %arg7[%get3A_546, %get3A_547] {strides = array<i32>} : memref<48x128xf32, #tpu.memory_space<vmem>>, vector<16xf32>,
      %mul3A_549 = arith.constant 4 : i32
      %mul3A_550 = arith.muli %mul3A_549, %scan3A_26 : i32
      %add3A_551 = arith.constant 3 : i32
      %add3A_552 = arith.addi %mul3A_550, %add3A_551 : i32
      %get3A_553 = arith.index_cast %add3A_552 : i32 to index
      %get3A_554 = arith.constant 48 : index
      %get3A_555 = tpu.vector_load %arg8[%get3A_553, %get3A_554] {strides = array<i32>} : memref<48x128xf32, #tpu.memory_space<vmem>>, vector<16xf32>,
      %sub3A_556 = arith.subf %get3A_555, %get3A_548 : vector<16xf32>
      %abs3A_557 = math.absf %sub3A_556 : vector<16xf32>
      %lt3A_558 = arith.constant 1.000000e+00 : f32
      %lt3A_559 = vector.broadcast %lt3A_558 : f32 to vector<16xf32>
      %lt3A_560 = arith.cmpf olt, %abs3A_557, %lt3A_559 : vector<16xf32>
      %mul3A_561 = arith.constant 5.000000e-01 : f32
      %mul3A_562 = vector.broadcast %mul3A_561 : f32 to vector<16xf32>
      %mul3A_563 = arith.mulf %mul3A_562, %abs3A_557 : vector<16xf32>
      %mul3A_564 = arith.mulf %mul3A_563, %abs3A_557 : vector<16xf32>
      %sub3A_565 = arith.constant 5.000000e-01 : f32
      %sub3A_566 = vector.broadcast %sub3A_565 : f32 to vector<16xf32>
      %sub3A_567 = arith.subf %abs3A_557, %sub3A_566 : vector<16xf32>
      %select_n3A_568 = arith.select %lt3A_560, %mul3A_564, %sub3A_567 : vector<16xi1>, vector<16xf32>
      %add3A_569 = arith.addf %add3A_541, %select_n3A_568 : vector<16xf32>
      %mul3A_570 = arith.mulf %mul3A_457, %add3A_569 : vector<16xf32>
      %add3A_571 = arith.addf %add3A_433, %mul3A_570 : vector<16xf32>
      %add3A_572 = arith.addf %add3A_434, %mul3A_457 : vector<16xf32>
      %mul3A_573 = arith.constant 128 : i32
      %mul3A_574 = arith.muli %scan3A_26, %mul3A_573 : i32
      %add3A_575 = arith.constant 64 : i32
      %add3A_576 = arith.addi %mul3A_574, %add3A_575 : i32
      %get3A_577 = arith.index_cast %add3A_576 : i32 to index
      %get3A_578 = tpu.vector_load %arg6[%get3A_577] {strides = array<i32>} : memref<1536xf32, #tpu.memory_space<vmem>>, vector<16xf32>,
      %ne3A_579 = arith.constant -1.000000e+00 : f32
      %ne3A_580 = vector.broadcast %ne3A_579 : f32 to vector<16xf32>
      %ne3A_581 = arith.cmpf one, %get3A_578, %ne3A_580 : vector<16xf32>
      %jit3A_582 = arith.constant 1.000000e+00 : f32
      %jit3A_583 = arith.constant 0.000000e+00 : f32
      %broadcast_in_dim3A_584 = vector.broadcast %jit3A_582 : f32 to vector<16xf32>
      %broadcast_in_dim3A_585 = vector.broadcast %jit3A_583 : f32 to vector<16xf32>
      %select_n3A_586 = arith.select %ne3A_581, %broadcast_in_dim3A_584, %broadcast_in_dim3A_585 : vector<16xi1>, vector<16xf32>
      %gt3A_587 = arith.constant 0.000000e+00 : f32
      %gt3A_588 = vector.broadcast %gt3A_587 : f32 to vector<16xf32>
      %gt3A_589 = arith.cmpf ogt, %get3A_578, %gt3A_588 : vector<16xf32>
      %jit3A_590 = arith.constant 1.000000e+00 : f32
      %jit3A_591 = arith.constant 0.000000e+00 : f32
      %broadcast_in_dim3A_592 = vector.broadcast %jit3A_590 : f32 to vector<16xf32>
      %broadcast_in_dim3A_593 = vector.broadcast %jit3A_591 : f32 to vector<16xf32>
      %select_n3A_594 = arith.select %gt3A_589, %broadcast_in_dim3A_592, %broadcast_in_dim3A_593 : vector<16xi1>, vector<16xf32>
      %mul3A_595 = arith.mulf %select_n3A_594, %select_n3A_586 : vector<16xf32>
      %mul3A_596 = arith.constant 4 : i32
      %mul3A_597 = arith.muli %mul3A_596, %scan3A_26 : i32
      %add3A_598 = arith.constant 0 : i32
      %add3A_599 = arith.addi %mul3A_597, %add3A_598 : i32
      %get3A_600 = arith.index_cast %add3A_599 : i32 to index
      %get3A_601 = arith.constant 64 : index
      %get3A_602 = tpu.vector_load %arg7[%get3A_600, %get3A_601] {strides = array<i32>} : memref<48x128xf32, #tpu.memory_space<vmem>>, vector<16xf32>,
      %mul3A_603 = arith.constant 4 : i32
      %mul3A_604 = arith.muli %mul3A_603, %scan3A_26 : i32
      %add3A_605 = arith.constant 0 : i32
      %add3A_606 = arith.addi %mul3A_604, %add3A_605 : i32
      %get3A_607 = arith.index_cast %add3A_606 : i32 to index
      %get3A_608 = arith.constant 64 : index
      %get3A_609 = tpu.vector_load %arg8[%get3A_607, %get3A_608] {strides = array<i32>} : memref<48x128xf32, #tpu.memory_space<vmem>>, vector<16xf32>,
      %sub3A_610 = arith.subf %get3A_609, %get3A_602 : vector<16xf32>
      %abs3A_611 = math.absf %sub3A_610 : vector<16xf32>
      %lt3A_612 = arith.constant 1.000000e+00 : f32
      %lt3A_613 = vector.broadcast %lt3A_612 : f32 to vector<16xf32>
      %lt3A_614 = arith.cmpf olt, %abs3A_611, %lt3A_613 : vector<16xf32>
      %mul3A_615 = arith.constant 5.000000e-01 : f32
      %mul3A_616 = vector.broadcast %mul3A_615 : f32 to vector<16xf32>
      %mul3A_617 = arith.mulf %mul3A_616, %abs3A_611 : vector<16xf32>
      %mul3A_618 = arith.mulf %mul3A_617, %abs3A_611 : vector<16xf32>
      %sub3A_619 = arith.constant 5.000000e-01 : f32
      %sub3A_620 = vector.broadcast %sub3A_619 : f32 to vector<16xf32>
      %sub3A_621 = arith.subf %abs3A_611, %sub3A_620 : vector<16xf32>
      %select_n3A_622 = arith.select %lt3A_614, %mul3A_618, %sub3A_621 : vector<16xi1>, vector<16xf32>
      %add3A_623 = arith.addf %broadcast_in_dim3A_11, %select_n3A_622 : vector<16xf32>
      %mul3A_624 = arith.constant 4 : i32
      %mul3A_625 = arith.muli %mul3A_624, %scan3A_26 : i32
      %add3A_626 = arith.constant 1 : i32
      %add3A_627 = arith.addi %mul3A_625, %add3A_626 : i32
      %get3A_628 = arith.index_cast %add3A_627 : i32 to index
      %get3A_629 = arith.constant 64 : index
      %get3A_630 = tpu.vector_load %arg7[%get3A_628, %get3A_629] {strides = array<i32>} : memref<48x128xf32, #tpu.memory_space<vmem>>, vector<16xf32>,
      %mul3A_631 = arith.constant 4 : i32
      %mul3A_632 = arith.muli %mul3A_631, %scan3A_26 : i32
      %add3A_633 = arith.constant 1 : i32
      %add3A_634 = arith.addi %mul3A_632, %add3A_633 : i32
      %get3A_635 = arith.index_cast %add3A_634 : i32 to index
      %get3A_636 = arith.constant 64 : index
      %get3A_637 = tpu.vector_load %arg8[%get3A_635, %get3A_636] {strides = array<i32>} : memref<48x128xf32, #tpu.memory_space<vmem>>, vector<16xf32>,
      %sub3A_638 = arith.subf %get3A_637, %get3A_630 : vector<16xf32>
      %abs3A_639 = math.absf %sub3A_638 : vector<16xf32>
      %lt3A_640 = arith.constant 1.000000e+00 : f32
      %lt3A_641 = vector.broadcast %lt3A_640 : f32 to vector<16xf32>
      %lt3A_642 = arith.cmpf olt, %abs3A_639, %lt3A_641 : vector<16xf32>
      %mul3A_643 = arith.constant 5.000000e-01 : f32
      %mul3A_644 = vector.broadcast %mul3A_643 : f32 to vector<16xf32>
      %mul3A_645 = arith.mulf %mul3A_644, %abs3A_639 : vector<16xf32>
      %mul3A_646 = arith.mulf %mul3A_645, %abs3A_639 : vector<16xf32>
      %sub3A_647 = arith.constant 5.000000e-01 : f32
      %sub3A_648 = vector.broadcast %sub3A_647 : f32 to vector<16xf32>
      %sub3A_649 = arith.subf %abs3A_639, %sub3A_648 : vector<16xf32>
      %select_n3A_650 = arith.select %lt3A_642, %mul3A_646, %sub3A_649 : vector<16xi1>, vector<16xf32>
      %add3A_651 = arith.addf %add3A_623, %select_n3A_650 : vector<16xf32>
      %mul3A_652 = arith.constant 4 : i32
      %mul3A_653 = arith.muli %mul3A_652, %scan3A_26 : i32
      %add3A_654 = arith.constant 2 : i32
      %add3A_655 = arith.addi %mul3A_653, %add3A_654 : i32
      %get3A_656 = arith.index_cast %add3A_655 : i32 to index
      %get3A_657 = arith.constant 64 : index
      %get3A_658 = tpu.vector_load %arg7[%get3A_656, %get3A_657] {strides = array<i32>} : memref<48x128xf32, #tpu.memory_space<vmem>>, vector<16xf32>,
      %mul3A_659 = arith.constant 4 : i32
      %mul3A_660 = arith.muli %mul3A_659, %scan3A_26 : i32
      %add3A_661 = arith.constant 2 : i32
      %add3A_662 = arith.addi %mul3A_660, %add3A_661 : i32
      %get3A_663 = arith.index_cast %add3A_662 : i32 to index
      %get3A_664 = arith.constant 64 : index
      %get3A_665 = tpu.vector_load %arg8[%get3A_663, %get3A_664] {strides = array<i32>} : memref<48x128xf32, #tpu.memory_space<vmem>>, vector<16xf32>,
      %sub3A_666 = arith.subf %get3A_665, %get3A_658 : vector<16xf32>
      %abs3A_667 = math.absf %sub3A_666 : vector<16xf32>
      %lt3A_668 = arith.constant 1.000000e+00 : f32
      %lt3A_669 = vector.broadcast %lt3A_668 : f32 to vector<16xf32>
      %lt3A_670 = arith.cmpf olt, %abs3A_667, %lt3A_669 : vector<16xf32>
      %mul3A_671 = arith.constant 5.000000e-01 : f32
      %mul3A_672 = vector.broadcast %mul3A_671 : f32 to vector<16xf32>
      %mul3A_673 = arith.mulf %mul3A_672, %abs3A_667 : vector<16xf32>
      %mul3A_674 = arith.mulf %mul3A_673, %abs3A_667 : vector<16xf32>
      %sub3A_675 = arith.constant 5.000000e-01 : f32
      %sub3A_676 = vector.broadcast %sub3A_675 : f32 to vector<16xf32>
      %sub3A_677 = arith.subf %abs3A_667, %sub3A_676 : vector<16xf32>
      %select_n3A_678 = arith.select %lt3A_670, %mul3A_674, %sub3A_677 : vector<16xi1>, vector<16xf32>
      %add3A_679 = arith.addf %add3A_651, %select_n3A_678 : vector<16xf32>
      %mul3A_680 = arith.constant 4 : i32
      %mul3A_681 = arith.muli %mul3A_680, %scan3A_26 : i32
      %add3A_682 = arith.constant 3 : i32
      %add3A_683 = arith.addi %mul3A_681, %add3A_682 : i32
      %get3A_684 = arith.index_cast %add3A_683 : i32 to index
      %get3A_685 = arith.constant 64 : index
      %get3A_686 = tpu.vector_load %arg7[%get3A_684, %get3A_685] {strides = array<i32>} : memref<48x128xf32, #tpu.memory_space<vmem>>, vector<16xf32>,
      %mul3A_687 = arith.constant 4 : i32
      %mul3A_688 = arith.muli %mul3A_687, %scan3A_26 : i32
      %add3A_689 = arith.constant 3 : i32
      %add3A_690 = arith.addi %mul3A_688, %add3A_689 : i32
      %get3A_691 = arith.index_cast %add3A_690 : i32 to index
      %get3A_692 = arith.constant 64 : index
      %get3A_693 = tpu.vector_load %arg8[%get3A_691, %get3A_692] {strides = array<i32>} : memref<48x128xf32, #tpu.memory_space<vmem>>, vector<16xf32>,
      %sub3A_694 = arith.subf %get3A_693, %get3A_686 : vector<16xf32>
      %abs3A_695 = math.absf %sub3A_694 : vector<16xf32>
      %lt3A_696 = arith.constant 1.000000e+00 : f32
      %lt3A_697 = vector.broadcast %lt3A_696 : f32 to vector<16xf32>
      %lt3A_698 = arith.cmpf olt, %abs3A_695, %lt3A_697 : vector<16xf32>
      %mul3A_699 = arith.constant 5.000000e-01 : f32
      %mul3A_700 = vector.broadcast %mul3A_699 : f32 to vector<16xf32>
      %mul3A_701 = arith.mulf %mul3A_700, %abs3A_695 : vector<16xf32>
      %mul3A_702 = arith.mulf %mul3A_701, %abs3A_695 : vector<16xf32>
      %sub3A_703 = arith.constant 5.000000e-01 : f32
      %sub3A_704 = vector.broadcast %sub3A_703 : f32 to vector<16xf32>
      %sub3A_705 = arith.subf %abs3A_695, %sub3A_704 : vector<16xf32>
      %select_n3A_706 = arith.select %lt3A_698, %mul3A_702, %sub3A_705 : vector<16xi1>, vector<16xf32>
      %add3A_707 = arith.addf %add3A_679, %select_n3A_706 : vector<16xf32>
      %mul3A_708 = arith.mulf %mul3A_595, %add3A_707 : vector<16xf32>
      %add3A_709 = arith.addf %add3A_571, %mul3A_708 : vector<16xf32>
      %add3A_710 = arith.addf %add3A_572, %mul3A_595 : vector<16xf32>
      %mul3A_711 = arith.constant 128 : i32
      %mul3A_712 = arith.muli %scan3A_26, %mul3A_711 : i32
      %add3A_713 = arith.constant 80 : i32
      %add3A_714 = arith.addi %mul3A_712, %add3A_713 : i32
      %get3A_715 = arith.index_cast %add3A_714 : i32 to index
      %get3A_716 = tpu.vector_load %arg6[%get3A_715] {strides = array<i32>} : memref<1536xf32, #tpu.memory_space<vmem>>, vector<16xf32>,
      %ne3A_717 = arith.constant -1.000000e+00 : f32
      %ne3A_718 = vector.broadcast %ne3A_717 : f32 to vector<16xf32>
      %ne3A_719 = arith.cmpf one, %get3A_716, %ne3A_718 : vector<16xf32>
      %jit3A_720 = arith.constant 1.000000e+00 : f32
      %jit3A_721 = arith.constant 0.000000e+00 : f32
      %broadcast_in_dim3A_722 = vector.broadcast %jit3A_720 : f32 to vector<16xf32>
      %broadcast_in_dim3A_723 = vector.broadcast %jit3A_721 : f32 to vector<16xf32>
      %select_n3A_724 = arith.select %ne3A_719, %broadcast_in_dim3A_722, %broadcast_in_dim3A_723 : vector<16xi1>, vector<16xf32>
      %gt3A_725 = arith.constant 0.000000e+00 : f32
      %gt3A_726 = vector.broadcast %gt3A_725 : f32 to vector<16xf32>
      %gt3A_727 = arith.cmpf ogt, %get3A_716, %gt3A_726 : vector<16xf32>
      %jit3A_728 = arith.constant 1.000000e+00 : f32
      %jit3A_729 = arith.constant 0.000000e+00 : f32
      %broadcast_in_dim3A_730 = vector.broadcast %jit3A_728 : f32 to vector<16xf32>
      %broadcast_in_dim3A_731 = vector.broadcast %jit3A_729 : f32 to vector<16xf32>
      %select_n3A_732 = arith.select %gt3A_727, %broadcast_in_dim3A_730, %broadcast_in_dim3A_731 : vector<16xi1>, vector<16xf32>
      %mul3A_733 = arith.mulf %select_n3A_732, %select_n3A_724 : vector<16xf32>
      %mul3A_734 = arith.constant 4 : i32
      %mul3A_735 = arith.muli %mul3A_734, %scan3A_26 : i32
      %add3A_736 = arith.constant 0 : i32
      %add3A_737 = arith.addi %mul3A_735, %add3A_736 : i32
      %get3A_738 = arith.index_cast %add3A_737 : i32 to index
      %get3A_739 = arith.constant 80 : index
      %get3A_740 = tpu.vector_load %arg7[%get3A_738, %get3A_739] {strides = array<i32>} : memref<48x128xf32, #tpu.memory_space<vmem>>, vector<16xf32>,
      %mul3A_741 = arith.constant 4 : i32
      %mul3A_742 = arith.muli %mul3A_741, %scan3A_26 : i32
      %add3A_743 = arith.constant 0 : i32
      %add3A_744 = arith.addi %mul3A_742, %add3A_743 : i32
      %get3A_745 = arith.index_cast %add3A_744 : i32 to index
      %get3A_746 = arith.constant 80 : index
      %get3A_747 = tpu.vector_load %arg8[%get3A_745, %get3A_746] {strides = array<i32>} : memref<48x128xf32, #tpu.memory_space<vmem>>, vector<16xf32>,
      %sub3A_748 = arith.subf %get3A_747, %get3A_740 : vector<16xf32>
      %abs3A_749 = math.absf %sub3A_748 : vector<16xf32>
      %lt3A_750 = arith.constant 1.000000e+00 : f32
      %lt3A_751 = vector.broadcast %lt3A_750 : f32 to vector<16xf32>
      %lt3A_752 = arith.cmpf olt, %abs3A_749, %lt3A_751 : vector<16xf32>
      %mul3A_753 = arith.constant 5.000000e-01 : f32
      %mul3A_754 = vector.broadcast %mul3A_753 : f32 to vector<16xf32>
      %mul3A_755 = arith.mulf %mul3A_754, %abs3A_749 : vector<16xf32>
      %mul3A_756 = arith.mulf %mul3A_755, %abs3A_749 : vector<16xf32>
      %sub3A_757 = arith.constant 5.000000e-01 : f32
      %sub3A_758 = vector.broadcast %sub3A_757 : f32 to vector<16xf32>
      %sub3A_759 = arith.subf %abs3A_749, %sub3A_758 : vector<16xf32>
      %select_n3A_760 = arith.select %lt3A_752, %mul3A_756, %sub3A_759 : vector<16xi1>, vector<16xf32>
      %add3A_761 = arith.addf %broadcast_in_dim3A_11, %select_n3A_760 : vector<16xf32>
      %mul3A_762 = arith.constant 4 : i32
      %mul3A_763 = arith.muli %mul3A_762, %scan3A_26 : i32
      %add3A_764 = arith.constant 1 : i32
      %add3A_765 = arith.addi %mul3A_763, %add3A_764 : i32
      %get3A_766 = arith.index_cast %add3A_765 : i32 to index
      %get3A_767 = arith.constant 80 : index
      %get3A_768 = tpu.vector_load %arg7[%get3A_766, %get3A_767] {strides = array<i32>} : memref<48x128xf32, #tpu.memory_space<vmem>>, vector<16xf32>,
      %mul3A_769 = arith.constant 4 : i32
      %mul3A_770 = arith.muli %mul3A_769, %scan3A_26 : i32
      %add3A_771 = arith.constant 1 : i32
      %add3A_772 = arith.addi %mul3A_770, %add3A_771 : i32
      %get3A_773 = arith.index_cast %add3A_772 : i32 to index
      %get3A_774 = arith.constant 80 : index
      %get3A_775 = tpu.vector_load %arg8[%get3A_773, %get3A_774] {strides = array<i32>} : memref<48x128xf32, #tpu.memory_space<vmem>>, vector<16xf32>,
      %sub3A_776 = arith.subf %get3A_775, %get3A_768 : vector<16xf32>
      %abs3A_777 = math.absf %sub3A_776 : vector<16xf32>
      %lt3A_778 = arith.constant 1.000000e+00 : f32
      %lt3A_779 = vector.broadcast %lt3A_778 : f32 to vector<16xf32>
      %lt3A_780 = arith.cmpf olt, %abs3A_777, %lt3A_779 : vector<16xf32>
      %mul3A_781 = arith.constant 5.000000e-01 : f32
      %mul3A_782 = vector.broadcast %mul3A_781 : f32 to vector<16xf32>
      %mul3A_783 = arith.mulf %mul3A_782, %abs3A_777 : vector<16xf32>
      %mul3A_784 = arith.mulf %mul3A_783, %abs3A_777 : vector<16xf32>
      %sub3A_785 = arith.constant 5.000000e-01 : f32
      %sub3A_786 = vector.broadcast %sub3A_785 : f32 to vector<16xf32>
      %sub3A_787 = arith.subf %abs3A_777, %sub3A_786 : vector<16xf32>
      %select_n3A_788 = arith.select %lt3A_780, %mul3A_784, %sub3A_787 : vector<16xi1>, vector<16xf32>
      %add3A_789 = arith.addf %add3A_761, %select_n3A_788 : vector<16xf32>
      %mul3A_790 = arith.constant 4 : i32
      %mul3A_791 = arith.muli %mul3A_790, %scan3A_26 : i32
      %add3A_792 = arith.constant 2 : i32
      %add3A_793 = arith.addi %mul3A_791, %add3A_792 : i32
      %get3A_794 = arith.index_cast %add3A_793 : i32 to index
      %get3A_795 = arith.constant 80 : index
      %get3A_796 = tpu.vector_load %arg7[%get3A_794, %get3A_795] {strides = array<i32>} : memref<48x128xf32, #tpu.memory_space<vmem>>, vector<16xf32>,
      %mul3A_797 = arith.constant 4 : i32
      %mul3A_798 = arith.muli %mul3A_797, %scan3A_26 : i32
      %add3A_799 = arith.constant 2 : i32
      %add3A_800 = arith.addi %mul3A_798, %add3A_799 : i32
      %get3A_801 = arith.index_cast %add3A_800 : i32 to index
      %get3A_802 = arith.constant 80 : index
      %get3A_803 = tpu.vector_load %arg8[%get3A_801, %get3A_802] {strides = array<i32>} : memref<48x128xf32, #tpu.memory_space<vmem>>, vector<16xf32>,
      %sub3A_804 = arith.subf %get3A_803, %get3A_796 : vector<16xf32>
      %abs3A_805 = math.absf %sub3A_804 : vector<16xf32>
      %lt3A_806 = arith.constant 1.000000e+00 : f32
      %lt3A_807 = vector.broadcast %lt3A_806 : f32 to vector<16xf32>
      %lt3A_808 = arith.cmpf olt, %abs3A_805, %lt3A_807 : vector<16xf32>
      %mul3A_809 = arith.constant 5.000000e-01 : f32
      %mul3A_810 = vector.broadcast %mul3A_809 : f32 to vector<16xf32>
      %mul3A_811 = arith.mulf %mul3A_810, %abs3A_805 : vector<16xf32>
      %mul3A_812 = arith.mulf %mul3A_811, %abs3A_805 : vector<16xf32>
      %sub3A_813 = arith.constant 5.000000e-01 : f32
      %sub3A_814 = vector.broadcast %sub3A_813 : f32 to vector<16xf32>
      %sub3A_815 = arith.subf %abs3A_805, %sub3A_814 : vector<16xf32>
      %select_n3A_816 = arith.select %lt3A_808, %mul3A_812, %sub3A_815 : vector<16xi1>, vector<16xf32>
      %add3A_817 = arith.addf %add3A_789, %select_n3A_816 : vector<16xf32>
      %mul3A_818 = arith.constant 4 : i32
      %mul3A_819 = arith.muli %mul3A_818, %scan3A_26 : i32
      %add3A_820 = arith.constant 3 : i32
      %add3A_821 = arith.addi %mul3A_819, %add3A_820 : i32
      %get3A_822 = arith.index_cast %add3A_821 : i32 to index
      %get3A_823 = arith.constant 80 : index
      %get3A_824 = tpu.vector_load %arg7[%get3A_822, %get3A_823] {strides = array<i32>} : memref<48x128xf32, #tpu.memory_space<vmem>>, vector<16xf32>,
      %mul3A_825 = arith.constant 4 : i32
      %mul3A_826 = arith.muli %mul3A_825, %scan3A_26 : i32
      %add3A_827 = arith.constant 3 : i32
      %add3A_828 = arith.addi %mul3A_826, %add3A_827 : i32
      %get3A_829 = arith.index_cast %add3A_828 : i32 to index
      %get3A_830 = arith.constant 80 : index
      %get3A_831 = tpu.vector_load %arg8[%get3A_829, %get3A_830] {strides = array<i32>} : memref<48x128xf32, #tpu.memory_space<vmem>>, vector<16xf32>,
      %sub3A_832 = arith.subf %get3A_831, %get3A_824 : vector<16xf32>
      %abs3A_833 = math.absf %sub3A_832 : vector<16xf32>
      %lt3A_834 = arith.constant 1.000000e+00 : f32
      %lt3A_835 = vector.broadcast %lt3A_834 : f32 to vector<16xf32>
      %lt3A_836 = arith.cmpf olt, %abs3A_833, %lt3A_835 : vector<16xf32>
      %mul3A_837 = arith.constant 5.000000e-01 : f32
      %mul3A_838 = vector.broadcast %mul3A_837 : f32 to vector<16xf32>
      %mul3A_839 = arith.mulf %mul3A_838, %abs3A_833 : vector<16xf32>
      %mul3A_840 = arith.mulf %mul3A_839, %abs3A_833 : vector<16xf32>
      %sub3A_841 = arith.constant 5.000000e-01 : f32
      %sub3A_842 = vector.broadcast %sub3A_841 : f32 to vector<16xf32>
      %sub3A_843 = arith.subf %abs3A_833, %sub3A_842 : vector<16xf32>
      %select_n3A_844 = arith.select %lt3A_836, %mul3A_840, %sub3A_843 : vector<16xi1>, vector<16xf32>
      %add3A_845 = arith.addf %add3A_817, %select_n3A_844 : vector<16xf32>
      %mul3A_846 = arith.mulf %mul3A_733, %add3A_845 : vector<16xf32>
      %add3A_847 = arith.addf %add3A_709, %mul3A_846 : vector<16xf32>
      %add3A_848 = arith.addf %add3A_710, %mul3A_733 : vector<16xf32>
      %mul3A_849 = arith.constant 128 : i32
      %mul3A_850 = arith.muli %scan3A_26, %mul3A_849 : i32
      %add3A_851 = arith.constant 96 : i32
      %add3A_852 = arith.addi %mul3A_850, %add3A_851 : i32
      %get3A_853 = arith.index_cast %add3A_852 : i32 to index
      %get3A_854 = tpu.vector_load %arg6[%get3A_853] {strides = array<i32>} : memref<1536xf32, #tpu.memory_space<vmem>>, vector<16xf32>,
      %ne3A_855 = arith.constant -1.000000e+00 : f32
      %ne3A_856 = vector.broadcast %ne3A_855 : f32 to vector<16xf32>
      %ne3A_857 = arith.cmpf one, %get3A_854, %ne3A_856 : vector<16xf32>
      %jit3A_858 = arith.constant 1.000000e+00 : f32
      %jit3A_859 = arith.constant 0.000000e+00 : f32
      %broadcast_in_dim3A_860 = vector.broadcast %jit3A_858 : f32 to vector<16xf32>
      %broadcast_in_dim3A_861 = vector.broadcast %jit3A_859 : f32 to vector<16xf32>
      %select_n3A_862 = arith.select %ne3A_857, %broadcast_in_dim3A_860, %broadcast_in_dim3A_861 : vector<16xi1>, vector<16xf32>
      %gt3A_863 = arith.constant 0.000000e+00 : f32
      %gt3A_864 = vector.broadcast %gt3A_863 : f32 to vector<16xf32>
      %gt3A_865 = arith.cmpf ogt, %get3A_854, %gt3A_864 : vector<16xf32>
      %jit3A_866 = arith.constant 1.000000e+00 : f32
      %jit3A_867 = arith.constant 0.000000e+00 : f32
      %broadcast_in_dim3A_868 = vector.broadcast %jit3A_866 : f32 to vector<16xf32>
      %broadcast_in_dim3A_869 = vector.broadcast %jit3A_867 : f32 to vector<16xf32>
      %select_n3A_870 = arith.select %gt3A_865, %broadcast_in_dim3A_868, %broadcast_in_dim3A_869 : vector<16xi1>, vector<16xf32>
      %mul3A_871 = arith.mulf %select_n3A_870, %select_n3A_862 : vector<16xf32>
      %mul3A_872 = arith.constant 4 : i32
      %mul3A_873 = arith.muli %mul3A_872, %scan3A_26 : i32
      %add3A_874 = arith.constant 0 : i32
      %add3A_875 = arith.addi %mul3A_873, %add3A_874 : i32
      %get3A_876 = arith.index_cast %add3A_875 : i32 to index
      %get3A_877 = arith.constant 96 : index
      %get3A_878 = tpu.vector_load %arg7[%get3A_876, %get3A_877] {strides = array<i32>} : memref<48x128xf32, #tpu.memory_space<vmem>>, vector<16xf32>,
      %mul3A_879 = arith.constant 4 : i32
      %mul3A_880 = arith.muli %mul3A_879, %scan3A_26 : i32
      %add3A_881 = arith.constant 0 : i32
      %add3A_882 = arith.addi %mul3A_880, %add3A_881 : i32
      %get3A_883 = arith.index_cast %add3A_882 : i32 to index
      %get3A_884 = arith.constant 96 : index
      %get3A_885 = tpu.vector_load %arg8[%get3A_883, %get3A_884] {strides = array<i32>} : memref<48x128xf32, #tpu.memory_space<vmem>>, vector<16xf32>,
      %sub3A_886 = arith.subf %get3A_885, %get3A_878 : vector<16xf32>
      %abs3A_887 = math.absf %sub3A_886 : vector<16xf32>
      %lt3A_888 = arith.constant 1.000000e+00 : f32
      %lt3A_889 = vector.broadcast %lt3A_888 : f32 to vector<16xf32>
      %lt3A_890 = arith.cmpf olt, %abs3A_887, %lt3A_889 : vector<16xf32>
      %mul3A_891 = arith.constant 5.000000e-01 : f32
      %mul3A_892 = vector.broadcast %mul3A_891 : f32 to vector<16xf32>
      %mul3A_893 = arith.mulf %mul3A_892, %abs3A_887 : vector<16xf32>
      %mul3A_894 = arith.mulf %mul3A_893, %abs3A_887 : vector<16xf32>
      %sub3A_895 = arith.constant 5.000000e-01 : f32
      %sub3A_896 = vector.broadcast %sub3A_895 : f32 to vector<16xf32>
      %sub3A_897 = arith.subf %abs3A_887, %sub3A_896 : vector<16xf32>
      %select_n3A_898 = arith.select %lt3A_890, %mul3A_894, %sub3A_897 : vector<16xi1>, vector<16xf32>
      %add3A_899 = arith.addf %broadcast_in_dim3A_11, %select_n3A_898 : vector<16xf32>
      %mul3A_900 = arith.constant 4 : i32
      %mul3A_901 = arith.muli %mul3A_900, %scan3A_26 : i32
      %add3A_902 = arith.constant 1 : i32
      %add3A_903 = arith.addi %mul3A_901, %add3A_902 : i32
      %get3A_904 = arith.index_cast %add3A_903 : i32 to index
      %get3A_905 = arith.constant 96 : index
      %get3A_906 = tpu.vector_load %arg7[%get3A_904, %get3A_905] {strides = array<i32>} : memref<48x128xf32, #tpu.memory_space<vmem>>, vector<16xf32>,
      %mul3A_907 = arith.constant 4 : i32
      %mul3A_908 = arith.muli %mul3A_907, %scan3A_26 : i32
      %add3A_909 = arith.constant 1 : i32
      %add3A_910 = arith.addi %mul3A_908, %add3A_909 : i32
      %get3A_911 = arith.index_cast %add3A_910 : i32 to index
      %get3A_912 = arith.constant 96 : index
      %get3A_913 = tpu.vector_load %arg8[%get3A_911, %get3A_912] {strides = array<i32>} : memref<48x128xf32, #tpu.memory_space<vmem>>, vector<16xf32>,
      %sub3A_914 = arith.subf %get3A_913, %get3A_906 : vector<16xf32>
      %abs3A_915 = math.absf %sub3A_914 : vector<16xf32>
      %lt3A_916 = arith.constant 1.000000e+00 : f32
      %lt3A_917 = vector.broadcast %lt3A_916 : f32 to vector<16xf32>
      %lt3A_918 = arith.cmpf olt, %abs3A_915, %lt3A_917 : vector<16xf32>
      %mul3A_919 = arith.constant 5.000000e-01 : f32
      %mul3A_920 = vector.broadcast %mul3A_919 : f32 to vector<16xf32>
      %mul3A_921 = arith.mulf %mul3A_920, %abs3A_915 : vector<16xf32>
      %mul3A_922 = arith.mulf %mul3A_921, %abs3A_915 : vector<16xf32>
      %sub3A_923 = arith.constant 5.000000e-01 : f32
      %sub3A_924 = vector.broadcast %sub3A_923 : f32 to vector<16xf32>
      %sub3A_925 = arith.subf %abs3A_915, %sub3A_924 : vector<16xf32>
      %select_n3A_926 = arith.select %lt3A_918, %mul3A_922, %sub3A_925 : vector<16xi1>, vector<16xf32>
      %add3A_927 = arith.addf %add3A_899, %select_n3A_926 : vector<16xf32>
      %mul3A_928 = arith.constant 4 : i32
      %mul3A_929 = arith.muli %mul3A_928, %scan3A_26 : i32
      %add3A_930 = arith.constant 2 : i32
      %add3A_931 = arith.addi %mul3A_929, %add3A_930 : i32
      %get3A_932 = arith.index_cast %add3A_931 : i32 to index
      %get3A_933 = arith.constant 96 : index
      %get3A_934 = tpu.vector_load %arg7[%get3A_932, %get3A_933] {strides = array<i32>} : memref<48x128xf32, #tpu.memory_space<vmem>>, vector<16xf32>,
      %mul3A_935 = arith.constant 4 : i32
      %mul3A_936 = arith.muli %mul3A_935, %scan3A_26 : i32
      %add3A_937 = arith.constant 2 : i32
      %add3A_938 = arith.addi %mul3A_936, %add3A_937 : i32
      %get3A_939 = arith.index_cast %add3A_938 : i32 to index
      %get3A_940 = arith.constant 96 : index
      %get3A_941 = tpu.vector_load %arg8[%get3A_939, %get3A_940] {strides = array<i32>} : memref<48x128xf32, #tpu.memory_space<vmem>>, vector<16xf32>,
      %sub3A_942 = arith.subf %get3A_941, %get3A_934 : vector<16xf32>
      %abs3A_943 = math.absf %sub3A_942 : vector<16xf32>
      %lt3A_944 = arith.constant 1.000000e+00 : f32
      %lt3A_945 = vector.broadcast %lt3A_944 : f32 to vector<16xf32>
      %lt3A_946 = arith.cmpf olt, %abs3A_943, %lt3A_945 : vector<16xf32>
      %mul3A_947 = arith.constant 5.000000e-01 : f32
      %mul3A_948 = vector.broadcast %mul3A_947 : f32 to vector<16xf32>
      %mul3A_949 = arith.mulf %mul3A_948, %abs3A_943 : vector<16xf32>
      %mul3A_950 = arith.mulf %mul3A_949, %abs3A_943 : vector<16xf32>
      %sub3A_951 = arith.constant 5.000000e-01 : f32
      %sub3A_952 = vector.broadcast %sub3A_951 : f32 to vector<16xf32>
      %sub3A_953 = arith.subf %abs3A_943, %sub3A_952 : vector<16xf32>
      %select_n3A_954 = arith.select %lt3A_946, %mul3A_950, %sub3A_953 : vector<16xi1>, vector<16xf32>
      %add3A_955 = arith.addf %add3A_927, %select_n3A_954 : vector<16xf32>
      %mul3A_956 = arith.constant 4 : i32
      %mul3A_957 = arith.muli %mul3A_956, %scan3A_26 : i32
      %add3A_958 = arith.constant 3 : i32
      %add3A_959 = arith.addi %mul3A_957, %add3A_958 : i32
      %get3A_960 = arith.index_cast %add3A_959 : i32 to index
      %get3A_961 = arith.constant 96 : index
      %get3A_962 = tpu.vector_load %arg7[%get3A_960, %get3A_961] {strides = array<i32>} : memref<48x128xf32, #tpu.memory_space<vmem>>, vector<16xf32>,
      %mul3A_963 = arith.constant 4 : i32
      %mul3A_964 = arith.muli %mul3A_963, %scan3A_26 : i32
      %add3A_965 = arith.constant 3 : i32
      %add3A_966 = arith.addi %mul3A_964, %add3A_965 : i32
      %get3A_967 = arith.index_cast %add3A_966 : i32 to index
      %get3A_968 = arith.constant 96 : index
      %get3A_969 = tpu.vector_load %arg8[%get3A_967, %get3A_968] {strides = array<i32>} : memref<48x128xf32, #tpu.memory_space<vmem>>, vector<16xf32>,
      %sub3A_970 = arith.subf %get3A_969, %get3A_962 : vector<16xf32>
      %abs3A_971 = math.absf %sub3A_970 : vector<16xf32>
      %lt3A_972 = arith.constant 1.000000e+00 : f32
      %lt3A_973 = vector.broadcast %lt3A_972 : f32 to vector<16xf32>
      %lt3A_974 = arith.cmpf olt, %abs3A_971, %lt3A_973 : vector<16xf32>
      %mul3A_975 = arith.constant 5.000000e-01 : f32
      %mul3A_976 = vector.broadcast %mul3A_975 : f32 to vector<16xf32>
      %mul3A_977 = arith.mulf %mul3A_976, %abs3A_971 : vector<16xf32>
      %mul3A_978 = arith.mulf %mul3A_977, %abs3A_971 : vector<16xf32>
      %sub3A_979 = arith.constant 5.000000e-01 : f32
      %sub3A_980 = vector.broadcast %sub3A_979 : f32 to vector<16xf32>
      %sub3A_981 = arith.subf %abs3A_971, %sub3A_980 : vector<16xf32>
      %select_n3A_982 = arith.select %lt3A_974, %mul3A_978, %sub3A_981 : vector<16xi1>, vector<16xf32>
      %add3A_983 = arith.addf %add3A_955, %select_n3A_982 : vector<16xf32>
      %mul3A_984 = arith.mulf %mul3A_871, %add3A_983 : vector<16xf32>
      %add3A_985 = arith.addf %add3A_847, %mul3A_984 : vector<16xf32>
      %add3A_986 = arith.addf %add3A_848, %mul3A_871 : vector<16xf32>
      %mul3A_987 = arith.constant 128 : i32
      %mul3A_988 = arith.muli %scan3A_26, %mul3A_987 : i32
      %add3A_989 = arith.constant 112 : i32
      %add3A_990 = arith.addi %mul3A_988, %add3A_989 : i32
      %get3A_991 = arith.index_cast %add3A_990 : i32 to index
      %get3A_992 = tpu.vector_load %arg6[%get3A_991] {strides = array<i32>} : memref<1536xf32, #tpu.memory_space<vmem>>, vector<16xf32>,
      %ne3A_993 = arith.constant -1.000000e+00 : f32
      %ne3A_994 = vector.broadcast %ne3A_993 : f32 to vector<16xf32>
      %ne3A_995 = arith.cmpf one, %get3A_992, %ne3A_994 : vector<16xf32>
      %jit3A_996 = arith.constant 1.000000e+00 : f32
      %jit3A_997 = arith.constant 0.000000e+00 : f32
      %broadcast_in_dim3A_998 = vector.broadcast %jit3A_996 : f32 to vector<16xf32>
      %broadcast_in_dim3A_999 = vector.broadcast %jit3A_997 : f32 to vector<16xf32>
      %select_n3A_1000 = arith.select %ne3A_995, %broadcast_in_dim3A_998, %broadcast_in_dim3A_999 : vector<16xi1>, vector<16xf32>
      %gt3A_1001 = arith.constant 0.000000e+00 : f32
      %gt3A_1002 = vector.broadcast %gt3A_1001 : f32 to vector<16xf32>
      %gt3A_1003 = arith.cmpf ogt, %get3A_992, %gt3A_1002 : vector<16xf32>
      %jit3A_1004 = arith.constant 1.000000e+00 : f32
      %jit3A_1005 = arith.constant 0.000000e+00 : f32
      %broadcast_in_dim3A_1006 = vector.broadcast %jit3A_1004 : f32 to vector<16xf32>
      %broadcast_in_dim3A_1007 = vector.broadcast %jit3A_1005 : f32 to vector<16xf32>
      %select_n3A_1008 = arith.select %gt3A_1003, %broadcast_in_dim3A_1006, %broadcast_in_dim3A_1007 : vector<16xi1>, vector<16xf32>
      %mul3A_1009 = arith.mulf %select_n3A_1008, %select_n3A_1000 : vector<16xf32>
      %mul3A_1010 = arith.constant 4 : i32
      %mul3A_1011 = arith.muli %mul3A_1010, %scan3A_26 : i32
      %add3A_1012 = arith.constant 0 : i32
      %add3A_1013 = arith.addi %mul3A_1011, %add3A_1012 : i32
      %get3A_1014 = arith.index_cast %add3A_1013 : i32 to index
      %get3A_1015 = arith.constant 112 : index
      %get3A_1016 = tpu.vector_load %arg7[%get3A_1014, %get3A_1015] {strides = array<i32>} : memref<48x128xf32, #tpu.memory_space<vmem>>, vector<16xf32>,
      %mul3A_1017 = arith.constant 4 : i32
      %mul3A_1018 = arith.muli %mul3A_1017, %scan3A_26 : i32
      %add3A_1019 = arith.constant 0 : i32
      %add3A_1020 = arith.addi %mul3A_1018, %add3A_1019 : i32
      %get3A_1021 = arith.index_cast %add3A_1020 : i32 to index
      %get3A_1022 = arith.constant 112 : index
      %get3A_1023 = tpu.vector_load %arg8[%get3A_1021, %get3A_1022] {strides = array<i32>} : memref<48x128xf32, #tpu.memory_space<vmem>>, vector<16xf32>,
      %sub3A_1024 = arith.subf %get3A_1023, %get3A_1016 : vector<16xf32>
      %abs3A_1025 = math.absf %sub3A_1024 : vector<16xf32>
      %lt3A_1026 = arith.constant 1.000000e+00 : f32
      %lt3A_1027 = vector.broadcast %lt3A_1026 : f32 to vector<16xf32>
      %lt3A_1028 = arith.cmpf olt, %abs3A_1025, %lt3A_1027 : vector<16xf32>
      %mul3A_1029 = arith.constant 5.000000e-01 : f32
      %mul3A_1030 = vector.broadcast %mul3A_1029 : f32 to vector<16xf32>
      %mul3A_1031 = arith.mulf %mul3A_1030, %abs3A_1025 : vector<16xf32>
      %mul3A_1032 = arith.mulf %mul3A_1031, %abs3A_1025 : vector<16xf32>
      %sub3A_1033 = arith.constant 5.000000e-01 : f32
      %sub3A_1034 = vector.broadcast %sub3A_1033 : f32 to vector<16xf32>
      %sub3A_1035 = arith.subf %abs3A_1025, %sub3A_1034 : vector<16xf32>
      %select_n3A_1036 = arith.select %lt3A_1028, %mul3A_1032, %sub3A_1035 : vector<16xi1>, vector<16xf32>
      %add3A_1037 = arith.addf %broadcast_in_dim3A_11, %select_n3A_1036 : vector<16xf32>
      %mul3A_1038 = arith.constant 4 : i32
      %mul3A_1039 = arith.muli %mul3A_1038, %scan3A_26 : i32
      %add3A_1040 = arith.constant 1 : i32
      %add3A_1041 = arith.addi %mul3A_1039, %add3A_1040 : i32
      %get3A_1042 = arith.index_cast %add3A_1041 : i32 to index
      %get3A_1043 = arith.constant 112 : index
      %get3A_1044 = tpu.vector_load %arg7[%get3A_1042, %get3A_1043] {strides = array<i32>} : memref<48x128xf32, #tpu.memory_space<vmem>>, vector<16xf32>,
      %mul3A_1045 = arith.constant 4 : i32
      %mul3A_1046 = arith.muli %mul3A_1045, %scan3A_26 : i32
      %add3A_1047 = arith.constant 1 : i32
      %add3A_1048 = arith.addi %mul3A_1046, %add3A_1047 : i32
      %get3A_1049 = arith.index_cast %add3A_1048 : i32 to index
      %get3A_1050 = arith.constant 112 : index
      %get3A_1051 = tpu.vector_load %arg8[%get3A_1049, %get3A_1050] {strides = array<i32>} : memref<48x128xf32, #tpu.memory_space<vmem>>, vector<16xf32>,
      %sub3A_1052 = arith.subf %get3A_1051, %get3A_1044 : vector<16xf32>
      %abs3A_1053 = math.absf %sub3A_1052 : vector<16xf32>
      %lt3A_1054 = arith.constant 1.000000e+00 : f32
      %lt3A_1055 = vector.broadcast %lt3A_1054 : f32 to vector<16xf32>
      %lt3A_1056 = arith.cmpf olt, %abs3A_1053, %lt3A_1055 : vector<16xf32>
      %mul3A_1057 = arith.constant 5.000000e-01 : f32
      %mul3A_1058 = vector.broadcast %mul3A_1057 : f32 to vector<16xf32>
      %mul3A_1059 = arith.mulf %mul3A_1058, %abs3A_1053 : vector<16xf32>
      %mul3A_1060 = arith.mulf %mul3A_1059, %abs3A_1053 : vector<16xf32>
      %sub3A_1061 = arith.constant 5.000000e-01 : f32
      %sub3A_1062 = vector.broadcast %sub3A_1061 : f32 to vector<16xf32>
      %sub3A_1063 = arith.subf %abs3A_1053, %sub3A_1062 : vector<16xf32>
      %select_n3A_1064 = arith.select %lt3A_1056, %mul3A_1060, %sub3A_1063 : vector<16xi1>, vector<16xf32>
      %add3A_1065 = arith.addf %add3A_1037, %select_n3A_1064 : vector<16xf32>
      %mul3A_1066 = arith.constant 4 : i32
      %mul3A_1067 = arith.muli %mul3A_1066, %scan3A_26 : i32
      %add3A_1068 = arith.constant 2 : i32
      %add3A_1069 = arith.addi %mul3A_1067, %add3A_1068 : i32
      %get3A_1070 = arith.index_cast %add3A_1069 : i32 to index
      %get3A_1071 = arith.constant 112 : index
      %get3A_1072 = tpu.vector_load %arg7[%get3A_1070, %get3A_1071] {strides = array<i32>} : memref<48x128xf32, #tpu.memory_space<vmem>>, vector<16xf32>,
      %mul3A_1073 = arith.constant 4 : i32
      %mul3A_1074 = arith.muli %mul3A_1073, %scan3A_26 : i32
      %add3A_1075 = arith.constant 2 : i32
      %add3A_1076 = arith.addi %mul3A_1074, %add3A_1075 : i32
      %get3A_1077 = arith.index_cast %add3A_1076 : i32 to index
      %get3A_1078 = arith.constant 112 : index
      %get3A_1079 = tpu.vector_load %arg8[%get3A_1077, %get3A_1078] {strides = array<i32>} : memref<48x128xf32, #tpu.memory_space<vmem>>, vector<16xf32>,
      %sub3A_1080 = arith.subf %get3A_1079, %get3A_1072 : vector<16xf32>
      %abs3A_1081 = math.absf %sub3A_1080 : vector<16xf32>
      %lt3A_1082 = arith.constant 1.000000e+00 : f32
      %lt3A_1083 = vector.broadcast %lt3A_1082 : f32 to vector<16xf32>
      %lt3A_1084 = arith.cmpf olt, %abs3A_1081, %lt3A_1083 : vector<16xf32>
      %mul3A_1085 = arith.constant 5.000000e-01 : f32
      %mul3A_1086 = vector.broadcast %mul3A_1085 : f32 to vector<16xf32>
      %mul3A_1087 = arith.mulf %mul3A_1086, %abs3A_1081 : vector<16xf32>
      %mul3A_1088 = arith.mulf %mul3A_1087, %abs3A_1081 : vector<16xf32>
      %sub3A_1089 = arith.constant 5.000000e-01 : f32
      %sub3A_1090 = vector.broadcast %sub3A_1089 : f32 to vector<16xf32>
      %sub3A_1091 = arith.subf %abs3A_1081, %sub3A_1090 : vector<16xf32>
      %select_n3A_1092 = arith.select %lt3A_1084, %mul3A_1088, %sub3A_1091 : vector<16xi1>, vector<16xf32>
      %add3A_1093 = arith.addf %add3A_1065, %select_n3A_1092 : vector<16xf32>
      %mul3A_1094 = arith.constant 4 : i32
      %mul3A_1095 = arith.muli %mul3A_1094, %scan3A_26 : i32
      %add3A_1096 = arith.constant 3 : i32
      %add3A_1097 = arith.addi %mul3A_1095, %add3A_1096 : i32
      %get3A_1098 = arith.index_cast %add3A_1097 : i32 to index
      %get3A_1099 = arith.constant 112 : index
      %get3A_1100 = tpu.vector_load %arg7[%get3A_1098, %get3A_1099] {strides = array<i32>} : memref<48x128xf32, #tpu.memory_space<vmem>>, vector<16xf32>,
      %mul3A_1101 = arith.constant 4 : i32
      %mul3A_1102 = arith.muli %mul3A_1101, %scan3A_26 : i32
      %add3A_1103 = arith.constant 3 : i32
      %add3A_1104 = arith.addi %mul3A_1102, %add3A_1103 : i32
      %get3A_1105 = arith.index_cast %add3A_1104 : i32 to index
      %get3A_1106 = arith.constant 112 : index
      %get3A_1107 = tpu.vector_load %arg8[%get3A_1105, %get3A_1106] {strides = array<i32>} : memref<48x128xf32, #tpu.memory_space<vmem>>, vector<16xf32>,
      %sub3A_1108 = arith.subf %get3A_1107, %get3A_1100 : vector<16xf32>
      %abs3A_1109 = math.absf %sub3A_1108 : vector<16xf32>
      %lt3A_1110 = arith.constant 1.000000e+00 : f32
      %lt3A_1111 = vector.broadcast %lt3A_1110 : f32 to vector<16xf32>
      %lt3A_1112 = arith.cmpf olt, %abs3A_1109, %lt3A_1111 : vector<16xf32>
      %mul3A_1113 = arith.constant 5.000000e-01 : f32
      %mul3A_1114 = vector.broadcast %mul3A_1113 : f32 to vector<16xf32>
      %mul3A_1115 = arith.mulf %mul3A_1114, %abs3A_1109 : vector<16xf32>
      %mul3A_1116 = arith.mulf %mul3A_1115, %abs3A_1109 : vector<16xf32>
      %sub3A_1117 = arith.constant 5.000000e-01 : f32
      %sub3A_1118 = vector.broadcast %sub3A_1117 : f32 to vector<16xf32>
      %sub3A_1119 = arith.subf %abs3A_1109, %sub3A_1118 : vector<16xf32>
      %select_n3A_1120 = arith.select %lt3A_1112, %mul3A_1116, %sub3A_1119 : vector<16xi1>, vector<16xf32>
      %add3A_1121 = arith.addf %add3A_1093, %select_n3A_1120 : vector<16xf32>
      %mul3A_1122 = arith.mulf %mul3A_1009, %add3A_1121 : vector<16xf32>
      %add3A_1123 = arith.addf %add3A_985, %mul3A_1122 : vector<16xf32>
      %add3A_1124 = arith.addf %add3A_986, %mul3A_1009 : vector<16xf32>
      scf.yield %add3A_1123, %add3A_1124 : vector<16xf32>, vector<16xf32>
    }
    %scan3A_16 = arith.constant 12 : i32
    %swap3A = arith.constant 0 : index
    %swap3A_17 = tpu.vector_load %arg9[%swap3A] {strides = array<i32>} : memref<32xf32, #tpu.memory_space<vmem>>, vector<16xf32>,
    tpu.vector_store %arg9[%swap3A], %scan3A_15#0 {strides = array<i32>} : memref<32xf32, #tpu.memory_space<vmem>>, vector<16xf32>,
    %swap3A_18 = arith.constant 16 : index
    %swap3A_19 = tpu.vector_load %arg9[%swap3A_18] {strides = array<i32>} : memref<32xf32, #tpu.memory_space<vmem>>, vector<16xf32>,
    tpu.vector_store %arg9[%swap3A_18], %scan3A_15#1 {strides = array<i32>} : memref<32xf32, #tpu.memory_space<vmem>>, vector<16xf32>,
    %mul3A_20 = arith.constant 16 : i32
    %mul3A_21 = arith.muli %add3A, %mul3A_20 : i32
    "tpu.region"() ({
      %run_scoped3A_26 = tpu.sem_alloc : memref<!tpu.dma_semaphore, #tpu.memory_space<semaphore_mem>>
      %dma_start3A = arith.constant 0 : i32
      %dma_start3A_27 = tpu.memref_slice %arg9[%dma_start3A] : memref<32xf32, #tpu.memory_space<vmem>> -> memref<16xf32, #tpu.memory_space<vmem>>
      %dma_start3A_28 = tpu.memref_slice %arg5[%mul3A_21] : memref<1024xf32, #tpu.memory_space<hbm>> -> memref<16xf32, #tpu.memory_space<hbm>>
      %dma_start3A_29 = tpu.memref_slice %arg5[%mul3A_21] : memref<1024xf32, #tpu.memory_space<hbm>> -> memref<16xf32, #tpu.memory_space<hbm>>
      %dma_start3A_30 = arith.constant 0 : i32
      %dma_start3A_31 = tpu.memref_slice %arg9[%dma_start3A_30] : memref<32xf32, #tpu.memory_space<vmem>> -> memref<16xf32, #tpu.memory_space<vmem>>
      tpu.enqueue_dma source(%dma_start3A_31 : memref<16xf32, #tpu.memory_space<vmem>>) target(%dma_start3A_29 : memref<16xf32, #tpu.memory_space<hbm>>) target_semaphore(%run_scoped3A_26 : memref<!tpu.dma_semaphore, #tpu.memory_space<semaphore_mem>>)
      %dma_wait3A = arith.constant 0 : i32
      %dma_wait3A_32 = tpu.memref_slice %arg9[%dma_wait3A] : memref<32xf32, #tpu.memory_space<vmem>> -> memref<16xf32, #tpu.memory_space<vmem>>
      %dma_wait3A_33 = tpu.memref_slice %arg5[%mul3A_21] : memref<1024xf32, #tpu.memory_space<hbm>> -> memref<16xf32, #tpu.memory_space<hbm>>
      %dma_wait3A_34 = tpu.memref_slice %arg5[%mul3A_21] : memref<1024xf32, #tpu.memory_space<hbm>> -> memref<16xf32, #tpu.memory_space<hbm>>
      %dma_wait3A_35 = arith.constant 0 : i32
      %dma_wait3A_36 = tpu.memref_slice %arg9[%dma_wait3A_35] : memref<32xf32, #tpu.memory_space<vmem>> -> memref<16xf32, #tpu.memory_space<vmem>>
      tpu.wait_dma2 semaphore(%run_scoped3A_26 : memref<!tpu.dma_semaphore, #tpu.memory_space<semaphore_mem>>) src(%dma_wait3A_36 : memref<16xf32, #tpu.memory_space<vmem>>) dst(%dma_wait3A_34 : memref<16xf32, #tpu.memory_space<hbm>>)
      tpu.yield
    }) : () -> ()
    %mul3A_22 = arith.constant 16 : i32
    %mul3A_23 = arith.muli %add3A, %mul3A_22 : i32
    %add3A_24 = arith.constant 512 : i32
    %add3A_25 = arith.addi %add3A_24, %mul3A_23 : i32
    "tpu.region"() ({
      %run_scoped3A_26 = tpu.sem_alloc : memref<!tpu.dma_semaphore, #tpu.memory_space<semaphore_mem>>
      %dma_start3A = arith.constant 16 : i32
      %dma_start3A_27 = tpu.memref_slice %arg9[%dma_start3A] : memref<32xf32, #tpu.memory_space<vmem>> -> memref<16xf32, #tpu.memory_space<vmem>>
      %dma_start3A_28 = tpu.memref_slice %arg5[%add3A_25] : memref<1024xf32, #tpu.memory_space<hbm>> -> memref<16xf32, #tpu.memory_space<hbm>>
      %dma_start3A_29 = tpu.memref_slice %arg5[%add3A_25] : memref<1024xf32, #tpu.memory_space<hbm>> -> memref<16xf32, #tpu.memory_space<hbm>>
      %dma_start3A_30 = arith.constant 16 : i32
      %dma_start3A_31 = tpu.memref_slice %arg9[%dma_start3A_30] : memref<32xf32, #tpu.memory_space<vmem>> -> memref<16xf32, #tpu.memory_space<vmem>>
      tpu.enqueue_dma source(%dma_start3A_31 : memref<16xf32, #tpu.memory_space<vmem>>) target(%dma_start3A_29 : memref<16xf32, #tpu.memory_space<hbm>>) target_semaphore(%run_scoped3A_26 : memref<!tpu.dma_semaphore, #tpu.memory_space<semaphore_mem>>)
      %dma_wait3A = arith.constant 16 : i32
      %dma_wait3A_32 = tpu.memref_slice %arg9[%dma_wait3A] : memref<32xf32, #tpu.memory_space<vmem>> -> memref<16xf32, #tpu.memory_space<vmem>>
      %dma_wait3A_33 = tpu.memref_slice %arg5[%add3A_25] : memref<1024xf32, #tpu.memory_space<hbm>> -> memref<16xf32, #tpu.memory_space<hbm>>
      %dma_wait3A_34 = tpu.memref_slice %arg5[%add3A_25] : memref<1024xf32, #tpu.memory_space<hbm>> -> memref<16xf32, #tpu.memory_space<hbm>>
      %dma_wait3A_35 = arith.constant 16 : i32
      %dma_wait3A_36 = tpu.memref_slice %arg9[%dma_wait3A_35] : memref<32xf32, #tpu.memory_space<vmem>> -> memref<16xf32, #tpu.memory_space<vmem>>
      tpu.wait_dma2 semaphore(%run_scoped3A_26 : memref<!tpu.dma_semaphore, #tpu.memory_space<semaphore_mem>>) src(%dma_wait3A_36 : memref<16xf32, #tpu.memory_space<vmem>>) dst(%dma_wait3A_34 : memref<16xf32, #tpu.memory_space<hbm>>)
      tpu.yield
    }) : () -> ()
    return
  }
}

module attributes {stable_mosaic.version = 14 : i64} {
  func.func @_tc_body(%arg0: memref<384x128xf32, #tpu.memory_space<vmem>>, %arg1: memref<384x128xf32, #tpu.memory_space<vmem>>, %arg2: memref<1x1xf32, #tpu.memory_space<smem>>) attributes {dimension_semantics = [], scalar_prefetch = 0 : i64, scratch_operands = 0 : i64, tpu.core_type = #tpu.core_type<tc>} {
    %get3A = arith.constant 0 : index
    %get3A_0 = arith.constant 0 : index
    %get3A_1 = vector.load %arg0[%get3A, %get3A_0] : memref<384x128xf32, #tpu.memory_space<vmem>>, vector<384x128xf32>
    %get3A_2 = arith.constant 0 : index
    %get3A_3 = arith.constant 0 : index
    %get3A_4 = vector.load %arg1[%get3A_2, %get3A_3] : memref<384x128xf32, #tpu.memory_space<vmem>>, vector<384x128xf32>
    %ne3A = arith.constant -1.000000e+00 : f32
    %ne3A_5 = vector.broadcast %ne3A : f32 to vector<384x128xf32>
    %ne3A_6 = arith.cmpf one, %get3A_1, %ne3A_5 : vector<384x128xf32>
    %jit3A = arith.constant 1.000000e-07 : f32
    %jit3A_7 = arith.constant 0.99999988 : f32
    %max3A = vector.broadcast %jit3A : f32 to vector<384x128xf32>
    %max3A_8 = arith.maximumf %max3A, %get3A_4 : vector<384x128xf32>
    %min3A = vector.broadcast %jit3A_7 : f32 to vector<384x128xf32>
    %min3A_9 = arith.minimumf %min3A, %max3A_8 : vector<384x128xf32>
    %log3A = math.log %min3A_9 : vector<384x128xf32>
    %mul3A = arith.mulf %get3A_1, %log3A : vector<384x128xf32>
    %sub3A = arith.constant 1.000000e+00 : f32
    %sub3A_10 = vector.broadcast %sub3A : f32 to vector<384x128xf32>
    %sub3A_11 = arith.subf %sub3A_10, %get3A_1 : vector<384x128xf32>
    %sub3A_12 = arith.constant 1.000000e+00 : f32
    %sub3A_13 = vector.broadcast %sub3A_12 : f32 to vector<384x128xf32>
    %sub3A_14 = arith.subf %sub3A_13, %min3A_9 : vector<384x128xf32>
    %log3A_15 = math.log %sub3A_14 : vector<384x128xf32>
    %mul3A_16 = arith.mulf %sub3A_11, %log3A_15 : vector<384x128xf32>
    %add3A = arith.addf %mul3A, %mul3A_16 : vector<384x128xf32>
    %neg3A = arith.constant 0.000000e+00 : f32
    %neg3A_17 = vector.broadcast %neg3A : f32 to vector<384x128xf32>
    %neg3A_18 = arith.subf %neg3A_17, %add3A : vector<384x128xf32>
    %jit3A_19 = arith.constant 0.000000e+00 : f32
    %broadcast_in_dim3A = vector.broadcast %jit3A_19 : f32 to vector<384x128xf32>
    %select_n3A = arith.select %ne3A_6, %neg3A_18, %broadcast_in_dim3A : vector<384x128xi1>, vector<384x128xf32>
    %reduce_sum3A = vector.shape_cast %select_n3A : vector<384x128xf32> to vector<1x384x128xf32>
    %reduce_sum3A_20 = arith.constant dense<0.000000e+00> : vector<1xf32>
    %reduce_sum3A_21 = vector.multi_reduction <add>, %reduce_sum3A, %reduce_sum3A_20 [1, 2] : vector<1x384x128xf32> to vector<1xf32>
    %reduce_sum3A_22 = vector.shape_cast %reduce_sum3A_21 : vector<1xf32> to vector<1x1x1xf32>
    %reduce_sum3A_23 = vector.extract %reduce_sum3A_22[0, 0, 0] : f32 from vector<1x1x1xf32>
    %convert_element_type3A = arith.extui %ne3A_6 : vector<384x128xi1> to vector<384x128xi32>
    %convert_element_type3A_24 = arith.sitofp %convert_element_type3A : vector<384x128xi32> to vector<384x128xf32>
    %reduce_sum3A_25 = vector.shape_cast %convert_element_type3A_24 : vector<384x128xf32> to vector<1x384x128xf32>
    %reduce_sum3A_26 = arith.constant dense<0.000000e+00> : vector<1xf32>
    %reduce_sum3A_27 = vector.multi_reduction <add>, %reduce_sum3A_25, %reduce_sum3A_26 [1, 2] : vector<1x384x128xf32> to vector<1xf32>
    %reduce_sum3A_28 = vector.shape_cast %reduce_sum3A_27 : vector<1xf32> to vector<1x1x1xf32>
    %reduce_sum3A_29 = vector.extract %reduce_sum3A_28[0, 0, 0] : f32 from vector<1x1x1xf32>
    %max3A_30 = arith.constant 1.000000e+00 : f32
    %max3A_31 = arith.maximumf %reduce_sum3A_29, %max3A_30 : f32
    %div3A = arith.divf %reduce_sum3A_23, %max3A_31 : f32
    %swap3A = arith.constant 0 : index
    %swap3A_32 = arith.constant 0 : index
    %swap3A_33 = memref.load %arg2[%swap3A, %swap3A_32] : memref<1x1xf32, #tpu.memory_space<smem>>
    memref.store %div3A, %arg2[%swap3A, %swap3A_32] : memref<1x1xf32, #tpu.memory_space<smem>>
    return
  }
}

</mosaic_0001>

<sc_bundles>
// kernel: kernel.4.cloned.1.call-start
scs
__scs_entry_jumppad:
0x0: {  	(pc) =	sbr.rel $0x88, $3  }
0x1: {  	(tag) =	ssettag $0x0;
	lr =	simm.s32 $0x1  }
0x2: {  	[smem:$0x3F9D] =	sst lr;
	_ =	strace $0xD0000000  }
0x3: {  	_ = 	snop  }
0x4: {  	_ = 	snop  }
0x5: {  	_ = 	snop  }
0x6: {  	_ = 	snop  }
0x7: {  	_ = 	snop  }
__scs_overlays_trampoline_lowered:
0x8: {  	[smem:$0x3FAC] =	sst s0  }
0x9: {  	[smem:$0x3FAD] =	sst s1  }
0xa: {  	[smem:$0x3FAE] =	sst s2  }
0xb: {  	[smem:$0x3FAF] =	sst s3  }
0xc: {  	[smem:$0x3FB0] =	sst s4  }
0xd: {  	[smem:$0x3FB1] =	sst s5  }
0xe: {  	[smem:$0x3FB2] =	sst s6  }
0xf: {  	[smem:$0x3FB3] =	sst s7  }
0x10: {  	[smem:$0x3FB4] =	sst s8  }
0x11: {  	[smem:$0x3FB5] =	sst s9;
	s0 =	simm.s32 @!p0 $0x0  }
0x12: {  	s1 =	sld [smem:$0x3F9B];
	s0 =	simm.s32 @p0 $0x1  }
0x13: {  	[smem:$0x3FB6] =	sst s0;
	s0 =	simm.s32 @!p1 $0x0  }
0x14: {  	s2 =	sld [smem:$0x3F9A];
	s0 =	simm.s32 @p1 $0x1  }
0x15: {  	[smem:$0x3FB7] =	sst s0;
	s0 =	simm.s32 @!p2 $0x0  }
0x16: {  	s3 =	sld [smem:$0x3FDB];
	s0 =	simm.s32 @p2 $0x1  }
0x17: {  	s4 =	simm.s32 $0x1BF5;
	[smem:$0x3FB9] =	sst s0  }
0x18: {  	s0 =	sld [smem:$0x3F9C];
	_ =	swait.ge [sflag:s4], $0x0  }
0x19: {  	s7 =	sld [smem:$0x3F9D]  }
0x1a: {  	s8 =	sadd.s32 $0xFFFFE003, lr  }
0x1b: {  	s9 =	sadd.s32 $0xFFFFFEF7, lr;
	s5 =	simm.s32 $0xFFFFFFFF;
	p2 =	slt.u32 s8, $0xFFFFF086  }
0x1c: {  	p1 =	slt.u32 s9, $0xF7A;
	s5 =	simm.s32 @!p2 $0x0  }
0x1d: {  	s5 =	simm.s32 @p1 $0x1;
	p0 =	seq.s32 s7, s2  }
0x1e: {  	s7 =	smul.u32 @!p0 $0xF7A, s2;
	p2 =	seq.s32 @!p0 s5, $0x0  }
0x1f: {  	s9 =	smul.u32 $0xF7A, s1;
	s8 =	simm.s32 @!p0 $0x1BF5;
	p2 =	por !p2, p0  }
0x20: {  	[sflag:s8] =	ssyncset.s32 @!p0 $0xFFFFF086;
	s6 =	sadd.s32 @!p0 s3, s7;
	s7 =	simm.s32 @!p0 $0x108  }
0x21: {  	s3 =	sadd.s32 s3, s9;
	s6 =	sadd.s32 @!p0 $0x88, s6;
	s7 =	simm.s32 @p2 $0x1082  }
0x22: {  	[simem:s7], [sflag:s8] =	dma.local @!p0 [hbm:s6], $0xF7A  }
0x23: {  	s9 =	sor.u32 $0xD0000000, s2;
	s6 =	simm.s32 $0x108;
	_ =	swait.ge @!p0 [sflag:s8], $0x0  }
0x24: {  	s3 =	sadd.s32 $0x88, s3;
	s6 =	simm.s32 @!p1 $0x1082;
	[sflag:s4] =	ssyncset.s32 $0xFFFFF086  }
0x25: {  	[simem:s6], [sflag:s4] =	dma.local [hbm:s3], $0xF7A  }
0x26: {  	[smem:$0x3F9D] =	sst s1;
	(tag) =	ssettag s2;
	_ =	strace s9  }
0x27: {  	s1 =	sld [smem:$0x3FAD]  }
0x28: {  	s2 =	sld [smem:$0x3FAE]  }
0x29: {  	s4 =	sld [smem:$0x3FB0]  }
0x2a: {  	p0 =	seq.s32 s5, $0x0;
	s5 =	sld [smem:$0x3FB1]  }
0x2b: {  	s6 =	sld [smem:$0x3FB2]  }
0x2c: {  	s7 =	sld [smem:$0x3FB3]  }
0x2d: {  	s3 =	simm.s32 $0x108;
	s8 =	sld [smem:$0x3FB4]  }
0x2e: {  	s3 =	simm.s32 @!p0 $0x1082;
	s9 =	sld [smem:$0x3FB5]  }
0x2f: {  	lr =	sadd.s32 s0, s3;
	s0 =	sld [smem:$0x3FAC]  }
0x30: {  	s3 =	sld [smem:$0x3FAF]  }
0x31: {  	[smem:$0x3FB8] =	sst s10  }
0x32: {  	s10 =	sld [smem:$0x3FB6];
	_ =	sdelay $0x3  }
0x33: {  	p0 =	seq.s32 s10, $0x1;
	s10 =	sld [smem:$0x3FB8];
	_ =	sdelay $0x3  }
0x34: {  	[smem:$0x3FB8] =	sst s10  }
0x35: {  	s10 =	sld [smem:$0x3FB7];
	_ =	sdelay $0x3  }
0x36: {  	p1 =	seq.s32 s10, $0x1;
	s10 =	sld [smem:$0x3FB8];
	_ =	sdelay $0x3  }
0x37: {  	[smem:$0x3FB8] =	sst s10  }
0x38: {  	s10 =	sld [smem:$0x3FB9]  }
0x39: {  	_ = 	snop;
	(pc) =	sbr.ind lr, $3  }
0x3a: {  	_ = 	snop  }
0x3b: {  	_ = 	snop  }
0x3c: {  	p2 =	seq.s32 s10, $0x1;
	s10 =	sld [smem:$0x3FB8]  }
0x3d: {  	_ =	shalt  }
0x3e: {  	_ =	shalt  }
0x3f: {  	_ =	shalt  }
0x40: {  	_ =	shalt  }
0x41: {  	_ =	shalt  }
0x42: {  	_ =	shalt  }
0x43: {  	_ =	shalt  }
0x44: {  	_ =	shalt  }
0x45: {  	_ =	shalt  }
0x46: {  	_ =	shalt  }
0x47: {  	_ =	shalt  }
0x48: {  	_ =	shalt  }
0x49: {  	_ =	shalt  }
0x4a: {  	_ =	shalt  }
0x4b: {  	_ =	shalt  }
0x4c: {  	_ =	shalt  }
0x4d: {  	_ =	shalt  }
0x4e: {  	_ =	shalt  }
0x4f: {  	_ =	shalt  }
0x50: {  	_ =	shalt  }
0x51: {  	_ =	shalt  }
0x52: {  	_ =	shalt  }
0x53: {  	_ =	shalt  }
0x54: {  	_ =	shalt  }
0x55: {  	_ =	shalt  }
0x56: {  	_ =	shalt  }
0x57: {  	_ =	shalt  }
0x58: {  	_ =	shalt  }
0x59: {  	_ =	shalt  }
0x5a: {  	_ =	shalt  }
0x5b: {  	_ =	shalt  }
0x5c: {  	_ =	shalt  }
0x5d: {  	_ =	shalt  }
0x5e: {  	_ =	shalt  }
0x5f: {  	_ =	shalt  }
0x60: {  	_ =	shalt  }
0x61: {  	_ =	shalt  }
0x62: {  	_ =	shalt  }
0x63: {  	_ =	shalt  }
0x64: {  	_ =	shalt  }
0x65: {  	_ =	shalt  }
0x66: {  	_ =	shalt  }
0x67: {  	_ =	shalt  }
0x68: {  	_ =	shalt  }
0x69: {  	_ =	shalt  }
0x6a: {  	_ =	shalt  }
0x6b: {  	_ =	shalt  }
0x6c: {  	_ =	shalt  }
0x6d: {  	_ =	shalt  }
0x6e: {  	_ =	shalt  }
0x6f: {  	_ =	shalt  }
0x70: {  	_ =	shalt  }
0x71: {  	_ =	shalt  }
0x72: {  	_ =	shalt  }
0x73: {  	_ =	shalt  }
0x74: {  	_ =	shalt  }
0x75: {  	_ =	shalt  }
0x76: {  	_ =	shalt  }
0x77: {  	_ =	shalt  }
0x78: {  	_ =	shalt  }
0x79: {  	_ =	shalt  }
0x7a: {  	_ =	shalt  }
0x7b: {  	_ =	shalt  }
0x7c: {  	_ =	shalt  }
0x7d: {  	_ =	shalt  }
0x7e: {  	_ =	shalt  }
0x7f: {  	_ =	shalt  }
0x80: {  	_ =	shalt  }
0x81: {  	_ =	shalt  }
0x82: {  	_ =	shalt  }
0x83: {  	_ =	shalt  }
0x84: {  	_ =	shalt  }
0x85: {  	_ =	shalt  }
0x86: {  	_ =	shalt  }
0x87: {  	_ =	shalt  }
.Lfunc_end0:
.L_simem_size_0:
called_computation_lowered:
.L_overlay_start_0:
0x88: {  	s2 =	sld [smem:$0x3FD9]  }
0x89: {  	s3 =	sld [smem:$0x3FFE];
	_ =	sdelay $0x1  }
0x8a: {  	s1 =	srdreg.scid  }
0x8b: {  	s0 =	sand.u32 $0x1, s1  }
0x8c: {  	s17 =	sshll.u32 s0, $0xA;
	s2 =	sadd.s32 s3, s2  }
0x8d: {  	s2 =	sadd.s32 s2, s17  }
0x8e: {  	[smem:$0x3FC4] =	sst s2  }
0x8f: {  	_ = 	snop  }
0x90: {  	s2 =	sld [smem:$0x3FC9]  }
0x91: {  	s18 =	sld [smem:$0x3FC8]  }
0x92: {  	s4 =	sld [smem:$0x3FC7];
	(tm) =	ssettm $0x1  }
0x93: {  	s5 =	sld [smem:$0x3FFB];
	_ =	sdelay $0x3  }
0x94: {  	_ =	strace s5  }
0x95: {  	s5 =	sld [smem:$0x3FFC];
	_ =	sdelay $0x3  }
0x96: {  	_ =	strace s5  }
0x97: {  	s5 =	sld [smem:$0x3FFD];
	_ =	sdelay $0x3  }
0x98: {  	_ =	strace s5  }
0x99: {  	_ =	strace $0x8FFFFFFF  }
0x9a: {  	s19 =	sld [smem:$0x3FDB];
	_ =	sdelay $0x1  }
0x9b: {  	s6 =	simm.s32 $_scs_section_size  }
0x9c: {  	s7 =	simm.s32 $_size__tile_overlayer_lowered;
	s8 =	simm.s32 $_tile_overlayer_lowered  }
0x9d: {  	s22 =	simm.s32 $0x1BFF;
	s21 =	sshll.u32 s8, $0x1;
	s5 =	sadd.s32 s6, s19  }
0x9e: {  	s9 =	simm.s32 $0x0;
	s20 =	sshll.u32 s7, $0x1;
	s7 =	sadd.s32 s21, s5  }
0x9f: {  	[timem:s9], [sflag:s22] =	dma.local [hbm:s7], s20  }
0xa0: {  	_ =	swait.ge [sflag:s22], s20  }
0xa1: {  	s6 =	ssub.s32 $0x0, s20;
	[sflag:s22] =	ssyncset.done $0x0  }
0xa2: {  	[sflag:s22] =	ssyncadd.s32 s6;
	_ =	sdelay $0x1  }
0xa3: {  	s23 =	simm.s32 $0x1B8B  }
0xa4: {  	_ =	swait.ge [sflag:s23], $0x1  }
0xa5: {  	[sflag:s23] =	ssyncset.done $0x0  }
0xa6: {  	s25 =	simm.s32 $0x1B8E;
	s24 =	sld [smem:$0x3FFE];
	[sflag:s23] =	ssyncadd.s32 $0xFFFFFFFF  }
0xa7: {  	s26 =	simm.s32 $execute0_lowered;
	[smem:$0x3FD2] =	sst s25  }
0xa8: {  	s7 =	sshll.u32 s26, $0x1;
	_ =	strace $0x80000046;
	[dreg:$0x1] =	wrdreg $0xFFFFFFFF  }
0xa9: {  	s28 =	simm.s32 $_size_execute0_lowered;
	s5 =	sadd.s32 s5, s7;
	[dreg:$0x0] =	wrdreg $0x0  }
0xaa: {  	s7 =	sshll.u32 s28, $0x1;
	[dreg:$0x2] =	wrdreg s5  }
0xab: {  	[dreg:$0x3] =	wrdreg s7  }
0xac: {  	[dreg:$0x4] =	wrdreg $0xC0  }
0xad: {  	_ =	task [dreg:s9], $0x5FFFF  }
0xae: {  	[dreg:$0x1] =	wrdreg $0xFFFFFFFF  }
0xaf: {  	[dreg:$0x0] =	wrdreg $0x60  }
0xb0: {  	[dreg:$0x2] =	wrdreg s18  }
0xb1: {  	[dreg:$0x3] =	wrdreg s2  }
0xb2: {  	[dreg:$0x4] =	wrdreg s4  }
0xb3: {  	[dreg:$0x5] =	wrdreg s24  }
0xb4: {  	[dreg:$0x6] =	wrdreg $0x9  }
0xb5: {  	_ =	task.clear_ibuf [dreg:s9], $0x7FFFF;
	_ =	strace $0x90000046  }
0xb6: {  	s29 =	simm.s32 $0x9;
	_ =	strace $0x80000048  }
0xb7: {  	_ =	swait.ge [sflag:s29], $0x1  }
0xb8: {  	[sflag:s29] =	ssyncadd.s32 $0xFFFFFFFF  }
0xb9: {  	_ =	strace $0x90000048  }
0xba: {  	_ =	sfence  }
0xbb: {  	s30 =	sld [smem:$0x0];
	_ =	sdelay $0x2  }
0xbc: {  	s31 =	sshll.u32 s1, $0xD;
	s1 =	sshrl.u32 s1, $0x2  }
0xbd: {  	s3 =	sand.u32 $0x4000, s31;
	s1 =	sadd.s32 s1, s30  }
0xbe: {  	s0 =	sor.u32 s3, s0;
	s1 =	sshll.u32 s1, $0x11  }
0xbf: {  	s0 =	sor.u32 s1, s0  }
0xc0: {  	s0 =	sadd.s32 $0x8F2B, s0  }
0xc1: {  	[sflag:s0] =	ssyncadd.remote.s32 $0x1  }
0xc2: {  	_ =	sfence.sel $0xFFFF  }
0xc3: {  	[dreg:$0x0] =	wrdreg $0xFFFFFFFF;
	(pc) =	sbr.abs _section_cstart, $3  }
0xc4: {  	[dreg:$0x1] =	wrdreg $0xFFFFFFFF  }
0xc5: {  	_ =	task.clear_ibuf [dreg:s9], $0x2FFFF;
	_ =	strace $0x9FFFFFFF  }
0xc6: {  	(tm) =	ssettm $0x7FFFFFFF  }
0xc7: {  	_ =	shalt  }
tec
execute0_lowered:
.L_overlay_start_1:
0x0: {  	(tag) =	ssettag $0x1  }
0x1: {  	s3 =	rddreg [dreg:$0x0]  }
0x2: {  	s4 =	rddreg [dreg:$0x1]  }
0x3: {  	s6 =	rddreg [dreg:$0x2];
	s1 =	srdreg.scid  }
0x4: {  	s0 =	stileid.u32;
	s5 =	rddreg [dreg:$0x3];
	s12 =	simm.s32 $0x3600  }
0x5: {  	s13 =	simm.s32 $0x3610;
	s7 =	sand.u32 $0x1, s1;
	s2 =	sshll.u32 s0, $0x1  }
0x6: {  	s14 =	simm.s32 $0x0;
	s1 =	rddreg [dreg:$0x4];
	s8 =	sor.u32 s7, s2  }
0x7: {  	s2 =	simm.s32 $0x0;
	s7 =	ssub.s32 $0x2, s7;
	s9 =	smul.u32 $0xC0, s8  }
0x8: {  	[smem:$0x7FF] =	sst s2;
	s10 =	sshrl.u32 s7, $0x1;
	s11 =	smul.u32 $0x300, s8  }
0x9: {  	s31 =	sshll.u32 s8, $0x1;
	_ =	strace $0x80000047;
	s10 =	ssub.s32 s7, s10  }
0xa: {  	s5 =	sadd.s32 s5, s31;
	s3 =	sadd.s32 s3, s9;
	s4 =	sadd.s32 s4, s11  }
0xb: {  	s6 =	sadd.s32 s6, s11;
	s7 =	sadd.s32 $0x40, s5;
	s8 =	smax.u32 s10, $0x1  }
0xc: {  	s9 =	simm.s32 $0x1;
	s10 =	simm.s32 $0x600;
	s11 =	simm.s32 $0x1E00  }
.LBB2_1:
0xd: {  	[tilespmem:s2], [sflag:$0x1] =	stream.linear.gather [hbm4b:s3+s2], $0x600, $0x38;
	[tilespmem:$0x3680] =	vst v63  }
0xe: {  	_ =	swait.ge [sflag:s9], $0x600  }
0xf: {  	[sflag:s9] =	ssyncset.done $0x0  }
0x10: {  	[sflag:s9] =	ssyncadd.s32 $0xFFFFFA00  }
0x11: {  	[tilespmem:s10], [sflag:$0x1] =	stream.linear.gather [hbm4b:s4+s2], $0x1800, $0x38;
	[tilespmem:$0x3680] =	vst v63  }
0x12: {  	_ =	swait.ge [sflag:s9], $0x1800  }
0x13: {  	[sflag:s9] =	ssyncset.done $0x0  }
0x14: {  	[sflag:s9] =	ssyncadd.s32 $0xFFFFE800  }
0x15: {  	[tilespmem:s11], [sflag:$0x1] =	stream.linear.gather [hbm4b:s6+s2], $0x1800, $0x38;
	[tilespmem:$0x3680] =	vst v63  }
0x16: {  	_ =	swait.ge [sflag:s9], $0x1800  }
0x17: {  	[sflag:s9] =	ssyncset.done $0x0  }
0x18: {  	s16 =	simm.s32 $0x40;
	[sflag:s9] =	ssyncadd.s32 $0xFFFFE800  }
0x19: {  	v0 =	vld [tilespmem:s16+$0x30]  }
0x1a: {  	v1 =	vld [tilespmem:s16+$0x20]  }
0x1b: {  	v2 =	vld [tilespmem:s16+$0x10]  }
0x1c: {  	s15 =	simm.s32 $0x0;
	v3 =	vld [tilespmem:s16+$0x0]  }
0x1d: {  	v4 =	vld [tilespmem:s15+$0x7F0]  }
0x1e: {  	v5 =	vld [tilespmem:s15+$0x1FF0]  }
0x1f: {  	v6 =	vld [tilespmem:s16+$0xFFFFFFF0]  }
0x20: {  	v7 =	vld [tilespmem:s15+$0x7E0]  }
0x21: {  	v8 =	vld [tilespmem:s15+$0x1FE0]  }
0x22: {  	v9 =	vld [tilespmem:s15+$0x770]  }
0x23: {  	v10 =	vld [tilespmem:s15+$0x1F70]  }
0x24: {  	v11 =	vld [tilespmem:s16+$0xFFFFFFE0]  }
0x25: {  	v12 =	vld [tilespmem:s15+$0x7D0]  }
0x26: {  	v13 =	vld [tilespmem:s15+$0x1FD0]  }
0x27: {  	v14 =	vld [tilespmem:s15+$0x760]  }
0x28: {  	v15 =	vld [tilespmem:s15+$0x1F60]  }
0x29: {  	v16 =	vld [tilespmem:s15+$0x670]  }
0x2a: {  	v17 =	vld [tilespmem:s15+$0x1E70]  }
0x2b: {  	v18 =	vld [tilespmem:s15+$0x6F0]  }
0x2c: {  	v19 =	vld [tilespmem:s15+$0x1EF0]  }
0x2d: {  	v21 =	vld [tilespmem:s15+$0x7C0]  }
0x2e: {  	v22 =	vld [tilespmem:s15+$0x1FC0]  }
0x2f: {  	v23 =	vld [tilespmem:s15+$0x750]  }
0x30: {  	v24 =	vld [tilespmem:s15+$0x1F50]  }
0x31: {  	v25 =	vld [tilespmem:s15+$0x660]  }
0x32: {  	v26 =	vld [tilespmem:s15+$0x1E60]  }
0x33: {  	v27 =	vld [tilespmem:s15+$0x6E0]  }
0x34: {  	v28 =	vld [tilespmem:s15+$0x1EE0]  }
0x35: {  	v30 =	vld [tilespmem:s15+$0x7B0]  }
0x36: {  	v31 =	vld [tilespmem:s15+$0x1FB0]  }
0x37: {  	v32 =	vld [tilespmem:s15+$0x740]  }
0x38: {  	v33 =	vld [tilespmem:s15+$0x1F40]  }
0x39: {  	v34 =	vld [tilespmem:s15+$0x650]  }
0x3a: {  	v35 =	vld [tilespmem:s15+$0x1E50]  }
0x3b: {  	v36 =	vld [tilespmem:s15+$0x6D0]  }
0x3c: {  	v37 =	vld [tilespmem:s15+$0x1ED0]  }
0x3d: {  	v38 =	vld [tilespmem:s15+$0x7A0]  }
0x3e: {  	v39 =	vld [tilespmem:s15+$0x1FA0]  }
0x3f: {  	v40 =	vld [tilespmem:s15+$0x730]  }
0x40: {  	v41 =	vld [tilespmem:s15+$0x1F30]  }
0x41: {  	v48 =	vld [tilespmem:s15+$0x720]  }
0x42: {  	v49 =	vld [tilespmem:s15+$0x1F20]  }
0x43: {  	v50 =	vld [tilespmem:s15+$0x630]  }
0x44: {  	v51 =	vld [tilespmem:s15+$0x1E30]  }
0x45: {  	v52 =	vld [tilespmem:s15+$0x6B0]  }
0x46: {  	v57 =	vimm.s32 $0x0;
	v53 =	vld [tilespmem:s15+$0x1EB0];
	vm4 =	vlt.f32 v0, $-1.000000000e+00  }
0x47: {  	v54 =	vld [tilespmem:s15+$0x780];
	vm0 =	vgt.f32 v0, $0.0e+00;
	vm7 =	vlt.f32 v1, $-1.000000000e+00;
	vm5 =	vgt.f32 v0, $-1.000000000e+00  }
0x48: {  	v55 =	vld [tilespmem:s15+$0x1F80];
	vm11 =	vlt.f32 v2, $-1.000000000e+00;
	v4 =	vsub.f32 v5, v4;
	vm2 =	vgt.f32 v3, $0.0e+00  }
0x49: {  	v56 =	vld [tilespmem:s15+$0x710];
	v5 =	vsub.f32 v13, v12;
	vm8 =	vlt.f32 v3, $-1.000000000e+00;
	v12 =	vsub.f32 v17, v16  }
0x4a: {  	v63 =	vld [tilespmem:s15+$0x1F10];
	vm9 =	vgt.f32 v3, $-1.000000000e+00;
	v3 =	vsub.f32 v22, v21;
	vm3 =	vgt.f32 v6, $0.0e+00  }
0x4b: {  	v42 =	vld [tilespmem:s15+$0x640];
	v17 =	vsub.f32 v26, v25;
	vm13 =	vlt.f32 v6, $-1.000000000e+00;
	v21 =	vsub.f32 v28, v27  }
0x4c: {  	v43 =	vld [tilespmem:s15+$0x1E40];
	vm14 =	vgt.f32 v6, $-1.000000000e+00;
	v6 =	vsub.f32 v33, v32;
	v26 =	vsub.f32 v37, v36  }
0x4d: {  	v44 =	vld [tilespmem:s15+$0x6C0];
	vm1 =	vgt.f32 v2, $0.0e+00;
	v27 =	vsub.f32 v41, v40;
	v58 =	vsub.f32 v49, v48  }
0x4e: {  	v45 =	vld [tilespmem:s15+$0x1EC0];
	vm10 =	vgt.f32 v1, $-1.000000000e+00;
	v36 =	vsub.f32 v51, v50;
	v60 =	vsub.f32 v55, v54  }
0x4f: {  	v46 =	vld [tilespmem:s15+$0x790];
	v62 =	vsub.f32 v53, v52;
	v63 =	vsub.f32 v63, v56;
	v57 =	vsel vm0, $0xFFFFFFFF, v57  }
0x50: {  	v47 =	vld [tilespmem:s15+$0x1F90];
	vm0 =	vgt.f32 v1, $0.0e+00;
	v1 =	vsub.f32 v8, v7;
	v8 =	vsub.f32 v10, v9  }
0x51: {  	v20 =	vld [tilespmem:s16+$0xFFFFFFD0];
	vm12 =	vgt.f32 v2, $-1.000000000e+00;
	v9 =	vsub.f32 v15, v14;
	v14 =	vsub.f32 v19, v18  }
0x52: {  	v29 =	vld [tilespmem:s16+$0xFFFFFFC0];
	vm6 =	vgt.f32 v11, $0.0e+00;
	v15 =	vsub.f32 v24, v23;
	v18 =	vsub.f32 v31, v30  }
0x53: {  	vm15 =	vgt.f32 v11, $-1.000000000e+00;
	v23 =	vsub.f32 v35, v34;
	v24 =	vsub.f32 v39, v38  }
0x54: {  	vm11 =	vmor vm12, vm11;
	vm12 =	vlt.f32 v11, $-1.000000000e+00;
	v30 =	vsub.f32 v43, v42  }
0x55: {  	v31 =	vsub.f32 v47, v46;
	vm10 =	vmor vm10, vm7;
	v11 =	vsub.f32 v45, v44  }
0x56: {  	vm4 =	vmor vm5, vm4;
	v47 =	vimm.s32 $0x0;
	vm7 =	vgt.f32 v20, $0.0e+00  }
0x57: {  	vm13 =	vmor vm14, vm13;
	vm5 =	vlt.f32 v29, $-1.000000000e+00;
	vm8 =	vmor vm9, vm8  }
0x58: {  	vm9 =	vgt.f32 v29, $-1.000000000e+00;
	v34 =	vsel vm4, $0xFFFFFFFF, v47;
	vm12 =	vmor vm15, vm12  }
0x59: {  	vm4 =	vlt.f32 v20, $-1.000000000e+00;
	vm9 =	vmor vm9, vm5;
	vm5 =	vgt.f32 v20, $-1.000000000e+00  }
0x5a: {  	vm15 =	vgt.f32 v29, $0.0e+00;
	vm0 =	vmand vm0, vm10;
	v4 =	vand.u32 $0x7FFFFFFF, v4  }
0x5b: {  	v59 =	vld [tilespmem:s15+$0x680];
	vm3 =	vmand vm3, vm13;
	v5 =	vand.u32 $0x7FFFFFFF, v5;
	v29 =	vand.u32 $0x7FFFFFFF, v12  }
0x5c: {  	v61 =	vld [tilespmem:s15+$0x1E80];
	v44 =	vand.u32 $0x7FFFFFFF, v17;
	v6 =	vand.u32 $0x7FFFFFFF, v6;
	v52 =	vand.u32 $0x7FFFFFFF, v26  }
0x5d: {  	v0 =	vld [tilespmem:s15+$0x620];
	v54 =	vand.u32 $0x7FFFFFFF, v27;
	v27 =	vand.u32 $0x7FFFFFFF, v58;
	v26 =	vand.u32 $0x7FFFFFFF, v60  }
0x5e: {  	v2 =	vld [tilespmem:s15+$0x1E20];
	v36 =	vand.u32 $0x7FFFFFFF, v36;
	v35 =	vand.u32 $0x7FFFFFFF, v62;
	v17 =	vand.u32 $0x7FFFFFFF, v63  }
0x5f: {  	v13 =	vld [tilespmem:s15+$0x700];
	v12 =	vimm.f32 $0.0e+00;
	vm14 =	vmor vm5, vm4;
	vm4 =	vmand vm2, vm8  }
0x60: {  	v16 =	vld [tilespmem:s15+$0x1F00];
	vm5 =	vmand vm1, vm11;
	v1 =	vand.u32 $0x7FFFFFFF, v1;
	v8 =	vand.u32 $0x7FFFFFFF, v8  }
0x61: {  	v22 =	vld [tilespmem:s15+$0x1E10];
	vm2 =	vmand vm6, vm12;
	v9 =	vand.u32 $0x7FFFFFFF, v9;
	v41 =	vand.u32 $0x7FFFFFFF, v15  }
0x62: {  	v25 =	vld [tilespmem:s15+$0x690];
	vm1 =	vmand vm15, vm9;
	v45 =	vand.u32 $0x7FFFFFFF, v18;
	v51 =	vand.u32 $0x7FFFFFFF, v23  }
0x63: {  	v28 =	vld [tilespmem:s15+$0x1E90];
	v53 =	vand.u32 $0x7FFFFFFF, v24;
	v55 =	vand.u32 $0x7FFFFFFF, v30;
	v42 =	vand.u32 $0x7FFFFFFF, v31  }
0x64: {  	v32 =	vld [tilespmem:s15+$0x600];
	v56 =	vand.u32 $0x7FFFFFFF, v11;
	v37 =	vadd.f32 $-5.000000000e-01, v5;
	v11 =	vmul.f32 $5.000000000e-01, v29  }
0x65: {  	v7 =	vld [tilespmem:s15+$0x6A0];
	v38 =	vadd.f32 $-5.000000000e-01, v29;
	v30 =	vmul.f32 $5.000000000e-01, v44;
	v40 =	vmul.f32 $5.000000000e-01, v6  }
0x66: {  	v10 =	vld [tilespmem:s15+$0x1EA0];
	v48 =	vmul.f32 $5.000000000e-01, v52;
	vm10 =	vlt.f32 v27, $1.000000000e+00;
	vm13 =	vlt.f32 v26, $1.000000000e+00  }
0x67: {  	v19 =	vld [tilespmem:s15+$0x610];
	v49 =	vadd.f32 $-5.000000000e-01, v1;
	v39 =	vmul.f32 $5.000000000e-01, v45;
	v47 =	vmul.f32 $5.000000000e-01, v51  }
0x68: {  	v46 =	vld [tilespmem:s15+$0x1E00];
	vm6 =	vlt.f32 v45, $1.000000000e+00;
	v0 =	vsub.f32 v2, v0;
	v2 =	vsub.f32 v16, v13  }
0x69: {  	v50 =	vmul.f32 $5.000000000e-01, v42;
	v16 =	vsub.f32 v28, v25;
	v28 =	vsub.f32 v61, v59  }
0x6a: {  	v13 =	vimm.s32 $0x0;
	v25 =	vmul.f32 $5.000000000e-01, v53;
	v62 =	vmul.f32 v11, v29  }
0x6b: {  	v59 =	vmul.f32 v30, v44;
	v58 =	vmul.f32 v48, v52;
	v48 =	vadd.f32 $-5.000000000e-01, v42  }
0x6c: {  	v11 =	vmul.f32 $5.000000000e-01, v27;
	v7 =	vsub.f32 v10, v7;
	v10 =	vsub.f32 v22, v19  }
0x6d: {  	v33 =	vsub.f32 v46, v32;
	v13 =	vsel vm0, $0xFFFFFFFF, v13;
	vm0 =	vmand vm7, vm14  }
0x6e: {  	[tilespmem:$0x1FD60] =	vst v57;
	v32 =	vand.u32 $0x7FFFFFFF, v14;
	v46 =	vand.u32 $0x7FFFFFFF, v21;
	v57 =	vmul.f32 v47, v51  }
0x6f: {  	v47 =	vimm.f32 $0.0e+00;
	vm7 =	vlt.f32 v35, $1.000000000e+00;
	[tilespmem:$0x1FD80] =	vst v13;
	v13 =	vand.u32 $0x7FFFFFFF, v3  }
0x70: {  	v22 =	vand.u32 $0x7FFFFFFF, v0;
	v19 =	vand.u32 $0x7FFFFFFF, v2;
	v14 =	vand.u32 $0x7FFFFFFF, v16  }
0x71: {  	v21 =	vand.u32 $0x7FFFFFFF, v28;
	v0 =	vsel vm5, $0x3F800000, v12;
	v2 =	vimm.s32 $0x0  }
0x72: {  	vm5 =	vlt.f32 v32, $1.000000000e+00;
	v43 =	vadd.f32 $-5.000000000e-01, v32;
	v3 =	vsel vm2, $0x3F800000, v12  }
0x73: {  	[tilespmem:$0x1FD70] =	vst v34;
	v16 =	vimm.s32 $0x0;
	v28 =	vmul.f32 $5.000000000e-01, v41;
	v31 =	vmul.f32 $5.000000000e-01, v46  }
0x74: {  	v30 =	vmul.f32 v25, v53;
	v15 =	vand.u32 $0x7FFFFFFF, v7;
	v18 =	vand.u32 $0x7FFFFFFF, v10;
	[tilespmem:$0x1FD90] =	vst v0  }
0x75: {  	v0 =	vsel vm4, $0x3F800000, v12;
	[tilespmem:$0x1FE40] =	vst v3;
	vm2 =	vlt.f32 v13, $1.000000000e+00;
	v3 =	vimm.s32 $0x0  }
0x76: {  	v23 =	vand.u32 $0x7FFFFFFF, v33;
	v20 =	vadd.f32 $-5.000000000e-01, v13;
	[tilespmem:$0x1FDA0] =	vst v0;
	v3 =	vsel vm2, $0xFFFFFFFF, v3  }
0x77: {  	vm4 =	vlt.f32 v4, $1.000000000e+00;
	v7 =	vimm.s32 $0x0;
	v0 =	vimm.s32 $0x0;
	[tilespmem:$0x1FE50] =	vst v3  }
0x78: {  	v10 =	vmul.f32 $5.000000000e-01, v9;
	vm2 =	vlt.f32 v41, $1.000000000e+00;
	v0 =	vsel vm4, $0xFFFFFFFF, v0;
	[tilespmem:$0x1FE80] =	vst v20  }
0x79: {  	v24 =	vmul.f32 $5.000000000e-01, v13;
	v7 =	vsel vm2, $0xFFFFFFFF, v7;
	[tilespmem:$0x1FDB0] =	vst v0;
	v0 =	vadd.f32 $-5.000000000e-01, v4  }
0x7a: {  	vm12 =	vlt.f32 v22, $1.000000000e+00;
	vm14 =	vlt.f32 v19, $1.000000000e+00;
	v20 =	vadd.f32 $-5.000000000e-01, v41;
	[tilespmem:$0x1FE60] =	vst v7  }
0x7b: {  	v34 =	vmul.f32 v28, v41;
	vm4 =	vlt.f32 v1, $1.000000000e+00;
	[tilespmem:$0x1FDC0] =	vst v0;
	v0 =	vimm.s32 $0x0  }
0x7c: {  	v61 =	vmul.f32 v31, v46;
	[tilespmem:$0x1FE90] =	vst v20;
	v20 =	vadd.f32 $-5.000000000e-01, v44;
	v0 =	vsel vm4, $0xFFFFFFFF, v0  }
0x7d: {  	v28 =	vmul.f32 v39, v45;
	vm4 =	vlt.f32 v8, $1.000000000e+00;
	[tilespmem:$0x1FDD0] =	vst v0;
	v0 =	vimm.s32 $0x0  }
0x7e: {  	v39 =	vmul.f32 v40, v6;
	v31 =	vmul.f32 $5.000000000e-01, v21;
	[tilespmem:$0x1FEA0] =	vst v20;
	v0 =	vsel vm4, $0xFFFFFFFF, v0  }
0x7f: {  	v40 =	vimm.f32 $0.0e+00;
	[tilespmem:$0x1FDE0] =	vst v0;
	v0 =	vsel vm3, $0x3F800000, v12;
	vm3 =	vlt.f32 v9, $1.000000000e+00  }
0x80: {  	vm11 =	vlt.f32 v15, $1.000000000e+00;
	[tilespmem:$0x1FDF0] =	vst v0;
	v0 =	vadd.f32 $-5.000000000e-01, v8;
	v2 =	vsel vm3, $0xFFFFFFFF, v2  }
0x81: {  	vm15 =	vlt.f32 v18, $1.000000000e+00;
	v3 =	vmul.f32 $5.000000000e-01, v8;
	[tilespmem:$0x1FE10] =	vst v2;
	v2 =	vadd.f32 $-5.000000000e-01, v9  }
0x82: {  	vm2 =	vlt.f32 v44, $1.000000000e+00;
	v7 =	vmul.f32 $5.000000000e-01, v5;
	v44 =	vmovc v14;
	v14 =	vmovc v53;
	v20 =	vadd.f32 $-5.000000000e-01, v46;
	[tilespmem:$0x1FE00] =	vst v0  }
0x83: {  	vm9 =	vlt.f32 v14, $1.000000000e+00;
	v0 =	vmul.f32 $5.000000000e-01, v4;
	[tilespmem:$0x1FE20] =	vst v2;
	v2 =	vimm.s32 $0x0  }
0x84: {  	[tilespmem:$0x1FEB0] =	vst v20;
	v20 =	vsel vm0, $0x3F800000, v12;
	v2 =	vsel vm5, $0xFFFFFFFF, v2;
	vm5 =	vlt.f32 v46, $1.000000000e+00  }
0x85: {  	vm0 =	vlt.f32 v6, $1.000000000e+00;
	v0 =	vmul.f32 v0, v4;
	[tilespmem:$0x1FE30] =	vst v2;
	v16 =	vsel vm5, $0xFFFFFFFF, v16  }
0x86: {  	vm3 =	vlt.f32 v29, $1.000000000e+00;
	v29 =	vmul.f32 $5.000000000e-01, v23;
	v4 =	vimm.s32 $0x0;
	[tilespmem:$0x1FE70] =	vst v16  }
0x87: {  	v2 =	vmul.f32 $5.000000000e-01, v1;
	v4 =	vsel vm0, $0xFFFFFFFF, v4;
	v16 =	vmul.f32 $5.000000000e-01, v32;
	[tilespmem:$0x1FED0] =	vst v0  }
0x88: {  	vm4 =	vlt.f32 v5, $1.000000000e+00;
	v0 =	vmul.f32 $5.000000000e-01, v54;
	[tilespmem:$0x1FF00] =	vst v4;
	v4 =	vmul.f32 $5.000000000e-01, v56  }
0x89: {  	v46 =	vadd.f32 $-5.000000000e-01, v53;
	v2 =	vmul.f32 v2, v1;
	v1 =	vmul.f32 v3, v8  }
0x8a: {  	[tilespmem:$0x1FEC0] =	vst v20;
	v53 =	vadd.f32 $-5.000000000e-01, v15;
	v3 =	vmul.f32 v7, v5;
	v5 =	vmul.f32 v10, v9  }
0x8b: {  	vm5 =	vlt.f32 v42, $1.000000000e+00;
	v63 =	vmul.f32 v16, v32;
	v16 =	vmul.f32 v24, v13;
	v13 =	vmovc v52;
	[tilespmem:$0x1FEE0] =	vst v1  }
0x8c: {  	v1 =	vsel vm1, $0x3F800000, v12;
	[tilespmem:$0x1FF10] =	vst v5;
	v5 =	vadd.f32 $-5.000000000e-01, v45;
	v12 =	vmovc v51;
	vm0 =	vlt.f32 v13, $1.000000000e+00  }
0x8d: {  	[tilespmem:$0x1FEF0] =	vst v1;
	v1 =	vmul.f32 $5.000000000e-01, v55;
	vm8 =	vlt.f32 v12, $1.000000000e+00;
	v12 =	vimm.s32 $0x0  }
0x8e: {  	v20 =	vmovc v54;
	v9 =	vmul.f32 $5.000000000e-01, v22;
	[tilespmem:$0x1FF20] =	vst v5;
	v5 =	vadd.f32 $-5.000000000e-01, v6;
	v12 =	vsel vm0, $0xFFFFFFFF, v12  }
0x8f: {  	v7 =	vmul.f32 $5.000000000e-01, v15;
	v6 =	vmovc v55;
	vm0 =	vlt.f32 v20, $1.000000000e+00;
	[tilespmem:$0x1FFA0] =	vst v12;
	v12 =	vimm.s32 $0x0  }
0x90: {  	v8 =	vmul.f32 $5.000000000e-01, v44;
	v25 =	vmovc v6;
	[tilespmem:$0x1FF30] =	vst v5;
	v5 =	vadd.f32 $-5.000000000e-01, v51;
	v12 =	vsel vm0, $0xFFFFFFFF, v12  }
0x91: {  	v60 =	vmul.f32 v1, v6;
	vm0 =	vlt.f32 v25, $1.000000000e+00;
	v1 =	vmovc v56;
	[tilespmem:$0x1FFB0] =	vst v12;
	v12 =	vimm.s32 $0x0  }
0x92: {  	v10 =	vadd.f32 $-5.000000000e-01, v26;
	[tilespmem:$0x1FF40] =	vst v5;
	v5 =	vadd.f32 $-5.000000000e-01, v52;
	v33 =	vmovc v1;
	v12 =	vsel vm0, $0xFFFFFFFF, v12  }
0x93: {  	v24 =	vmul.f32 $5.000000000e-01, v36;
	[tilespmem:$0x1FFC0] =	vst v12;
	vm0 =	vlt.f32 v33, $1.000000000e+00;
	v12 =	vimm.s32 $0x0  }
0x94: {  	v32 =	vmul.f32 $5.000000000e-01, v26;
	[tilespmem:$0x1FF50] =	vst v5;
	v5 =	vadd.f32 $-5.000000000e-01, v55;
	v12 =	vsel vm0, $0xFFFFFFFF, v12  }
0x95: {  	v45 =	vadd.f32 $-5.000000000e-01, v54;
	v55 =	vmul.f32 v0, v54;
	v0 =	vadd.f32 $-5.000000000e-01, v56;
	[tilespmem:$0x1FFD0] =	vst v12  }
0x96: {  	v6 =	vmul.f32 $5.000000000e-01, v18;
	vm0 =	vlt.f32 v36, $1.000000000e+00;
	v12 =	vimm.s32 $0x0;
	[tilespmem:$0x1FF60] =	vst v5  }
0x97: {  	v51 =	vadd.f32 $-5.000000000e-01, v36;
	[tilespmem:$0x1FF70] =	vst v0;
	v0 =	vadd.f32 $-5.000000000e-01, v35;
	v12 =	vsel vm0, $0xFFFFFFFF, v12  }
0x98: {  	v1 =	vmul.f32 $5.000000000e-01, v35;
	vm0 =	vlt.f32 v17, $1.000000000e+00;
	[tilespmem:$0x1FFE0] =	vst v12;
	v12 =	vimm.s32 $0x0  }
0x99: {  	v52 =	vadd.f32 $-5.000000000e-01, v27;
	[tilespmem:$0x1FF80] =	vst v0;
	v0 =	vadd.f32 $-5.000000000e-01, v17;
	v12 =	vsel vm0, $0xFFFFFFFF, v12  }
0x9a: {  	v56 =	vmul.f32 v4, v56;
	v4 =	vmul.f32 $5.000000000e-01, v19;
	v54 =	vadd.f32 $-5.000000000e-01, v19;
	[tilespmem:$0x1FFF0] =	vst v12  }
0x9b: {  	s16 =	simm.s32 $0x800;
	s15 =	simm.s32 $0xC0;
	v5 =	vmul.f32 $5.000000000e-01, v17;
	vm0 =	vlt.f32 v44, $1.000000000e+00;
	[tilespmem:$0x1FF90] =	vst v0;
	v0 =	vadd.f32 $-5.000000000e-01, v22  }
.LBB2_2:
0x9c: {  	v14 =	vld [tilespmem:$0x1FF20];
	_ =	sdelay $0x4  }
0x9d: {  	v50 =	vmul.f32 v50, v42;
	v42 =	vsel vm6, v28, v14;
	v14 =	vld [tilespmem:$0x1FEA0];
	_ =	sdelay $0x3  }
0x9e: {  	v4 =	vmul.f32 v4, v19;
	v19 =	vsel vm4, v3, v37;
	v3 =	vld [tilespmem:$0x1FDD0]  }
0x9f: {  	v24 =	vmul.f32 v24, v36;
	v36 =	vsel vm2, v59, v14;
	v14 =	vld [tilespmem:$0x1FE70];
	_ =	sdelay $0x2  }
0xa0: {  	v12 =	vimm.s32 $0x0  }
0xa1: {  	v12 =	vsel vm5, $0xFFFFFFFF, v12;
	v26 =	vmul.f32 v32, v26;
	vm5 =	vlt.f32 v21, $1.000000000e+00  }
0xa2: {  	vm4 =	vmmov vm3;
	vm3 =	vnez.u8 v3;
	vm2 =	vnez.u8 v14;
	v14 =	vld [tilespmem:$0x1FEB0]  }
0xa3: {  	v32 =	vadd.f32 $-5.000000000e-01, v21;
	v31 =	vmul.f32 v31, v21;
	v21 =	vsel vm3, v2, v49;
	v2 =	vld [tilespmem:$0x1FE50];
	_ =	sdelay $0x2  }
0xa4: {  	v3 =	vld [tilespmem:$0x1FE30]  }
0xa5: {  	v37 =	vsel vm2, v61, v14;
	v14 =	vld [tilespmem:$0x1FF40]  }
0xa6: {  	vm3 =	vnez.u8 v2;
	v2 =	vld [tilespmem:$0x1FE80];
	_ =	sdelay $0x1  }
0xa7: {  	v33 =	vadd.f32 $-5.000000000e-01, v18;
	vm1 =	vlt.f32 v23, $1.000000000e+00;
	v9 =	vmul.f32 v9, v22  }
0xa8: {  	v22 =	vadd.f32 $-5.000000000e-01, v23;
	v6 =	vmul.f32 v6, v18;
	v29 =	vmul.f32 v29, v23;
	v23 =	vld [tilespmem:$0x1FFA0]  }
0xa9: {  	v20 =	vadd.f32 $-5.000000000e-01, v44;
	v8 =	vmul.f32 v8, v44;
	v57 =	vsel vm8, v57, v14;
	v14 =	vld [tilespmem:$0x1FF50]  }
0xaa: {  	v6 =	vsel vm15, v6, v33;
	v16 =	vsel vm3, v16, v2;
	vm3 =	vnez.u8 v3  }
0xab: {  	v8 =	vsel vm0, v8, v20;
	v2 =	vsel vm4, v62, v38;
	v3 =	vsel vm3, v63, v43  }
0xac: {  	v4 =	vsel vm14, v4, v54;
	v54 =	vadd.f32 v3, v2;
	v3 =	vadd.f32 v8, v6;
	v6 =	vld [tilespmem:$0x1FFF0]  }
0xad: {  	vm2 =	vnez.u8 v23  }
0xae: {  	v58 =	vsel vm2, v58, v14;
	v14 =	vld [tilespmem:$0x1FFB0];
	_ =	sdelay $0x2  }
0xaf: {  	v22 =	vsel vm1, v29, v22;
	v31 =	vsel vm5, v31, v32;
	vm0 =	vnez.u8 v6;
	v6 =	vld [tilespmem:$0x1FF90]  }
0xb0: {  	v0 =	vsel vm12, v9, v0;
	v9 =	vadd.f32 v31, v22;
	v61 =	vld [tilespmem:$0x1FFC0]  }
0xb1: {  	vm2 =	vnez.u8 v14;
	v14 =	vld [tilespmem:$0x1FF60]  }
0xb2: {  	v5 =	vmul.f32 v5, v17;
	v10 =	vsel vm13, v26, v10;
	v26 =	vld [tilespmem:$0x1FFE0];
	v2 =	vadd.f32 v4, v9  }
0xb3: {  	v30 =	vsel vm9, v30, v46;
	v46 =	vld [tilespmem:$0x1FFD0]  }
0xb4: {  	v2 =	vadd.f32 v10, v2;
	v10 =	vld [tilespmem:$0x1FEF0];
	v5 =	vsel vm0, v5, v6  }
0xb5: {  	v3 =	vadd.f32 v5, v3;
	v5 =	vld [tilespmem:$0x1FF80];
	v59 =	vsel vm2, v55, v45;
	vm2 =	vnez.u8 v61  }
0xb6: {  	v63 =	vsel vm2, v60, v14;
	v14 =	vld [tilespmem:$0x1FF70];
	_ =	sdelay $0x1  }
0xb7: {  	v1 =	vmul.f32 v1, v35  }
0xb8: {  	[tilespmem:$0x1FC10] =	vst v12  }
0xb9: {  	v7 =	vmul.f32 v7, v15;
	v1 =	vsel vm7, v1, v5;
	v5 =	vld [tilespmem:$0x1FC10];
	vm2 =	vnez.u8 v46  }
0xba: {  	v8 =	vmul.f32 v2, v10;
	v2 =	vld [tilespmem:$0x1FF00];
	v49 =	vsel vm2, v56, v14;
	vm2 =	vnez.u8 v26  }
0xbb: {  	v24 =	vsel vm2, v24, v51  }
0xbc: {  	v4 =	vsel vm11, v7, v53;
	v7 =	vadd.f32 v1, v24;
	_ =	sdelay $0x1  }
0xbd: {  	v11 =	vmul.f32 v11, v27;
	vm0 =	vnez.u8 v5;
	v7 =	vadd.f32 v59, v7  }
0xbe: {  	v4 =	vadd.f32 v4, v0;
	v5 =	vsel vm0, v50, v48;
	vm0 =	vnez.u8 v2;
	v2 =	vld [tilespmem:$0x1FF30]  }
0xbf: {  	v11 =	vsel vm10, v11, v52;
	v24 =	vadd.f32 v42, v7;
	v7 =	vld [tilespmem:$0x1FE60]  }
0xc0: {  	v4 =	vadd.f32 v11, v4;
	_ =	sdelay $0x1  }
0xc1: {  	v4 =	vadd.f32 v30, v4;
	v30 =	vld [tilespmem:$0x1FEC0];
	_ =	sdelay $0x1  }
0xc2: {  	v9 =	vsel vm0, v39, v2;
	vm0 =	vnez.u8 v7;
	v7 =	vld [tilespmem:$0x1FE90]  }
0xc3: {  	v10 =	vadd.f32 v10, v40;
	v3 =	vadd.f32 v5, v3;
	_ =	sdelay $0x1  }
0xc4: {  	v10 =	vadd.f32 v30, v10;
	v5 =	vadd.f32 v49, v63;
	v11 =	vmul.f32 v3, v30;
	v30 =	vld [tilespmem:$0x1FE40]  }
0xc5: {  	v6 =	vadd.f32 v58, v57  }
0xc6: {  	v5 =	vadd.f32 v9, v5;
	v9 =	vsel vm0, v34, v7  }
0xc7: {  	v8 =	vadd.f32 v8, v47;
	v9 =	vadd.f32 v9, v6;
	v6 =	vld [tilespmem:$0x1FE10]  }
0xc8: {  	v55 =	vld [tilespmem:$0x1FDA0]  }
0xc9: {  	v8 =	vadd.f32 v11, v8;
	v11 =	vmul.f32 v4, v30;
	v10 =	vadd.f32 v30, v10;
	v30 =	vld [tilespmem:$0x1FDF0]  }
0xca: {  	v5 =	vadd.f32 v16, v5;
	v16 =	vld [tilespmem:$0x1FF10]  }
0xcb: {  	v9 =	vadd.f32 v19, v9;
	v19 =	vld [tilespmem:$0x1FDE0]  }
0xcc: {  	vm0 =	vnez.u8 v6;
	v6 =	vld [tilespmem:$0x1FE20];
	_ =	sdelay $0x1  }
0xcd: {  	v8 =	vadd.f32 v11, v8;
	v11 =	vmul.f32 v24, v30;
	_ =	sdelay $0x1  }
0xce: {  	v20 =	vadd.f32 v37, v36;
	v8 =	vadd.f32 v11, v8;
	v11 =	vmul.f32 v5, v55;
	v5 =	vld [tilespmem:$0x1FDB0]  }
0xcf: {  	v16 =	vsel vm0, v16, v6;
	vm0 =	vnez.u8 v19;
	v19 =	vld [tilespmem:$0x1FE00]  }
0xd0: {  	v16 =	vadd.f32 v16, v20;
	v20 =	vld [tilespmem:$0x1FEE0]  }
0xd1: {  	v58 =	vld [tilespmem:$0x1FD80]  }
0xd2: {  	v56 =	vld [tilespmem:$0x1FD90]  }
0xd3: {  	v60 =	vld [tilespmem:$0x1FD70]  }
0xd4: {  	v16 =	vadd.f32 v21, v16;
	v21 =	vld [tilespmem:$0x1FED0]  }
0xd5: {  	v19 =	vsel vm0, v20, v19;
	vm0 =	vnez.u8 v5;
	v5 =	vld [tilespmem:$0x1FDC0]  }
0xd6: {  	v59 =	vld [tilespmem:$0x1FD60]  }
0xd7: {  	v10 =	vadd.f32 v30, v10;
	v8 =	vadd.f32 v11, v8;
	v9 =	vmul.f32 v9, v56  }
0xd8: {  	v57 =	vimm.f32 $0.0e+00  }
0xd9: {  	v41 =	vld [tilespmem:s15+$0x30];
	vm1 =	vnez.u8 v60;
	v10 =	vadd.f32 v55, v10;
	v8 =	vadd.f32 v9, v8  }
0xda: {  	v25 =	vld [tilespmem:s15+$0x10];
	v19 =	vadd.f32 v19, v54;
	v21 =	vsel vm0, v21, v5;
	vm0 =	vnez.u8 v58  }
0xdb: {  	v13 =	vld [tilespmem:s15+$0x0];
	v9 =	vadd.f32 v56, v10;
	v34 =	vsel vm0, $0x3F800000, v57;
	vm0 =	vnez.u8 v59  }
0xdc: {  	s17 =	sshra.s32 s16, $0x2;
	v27 =	vld [tilespmem:s15+$0x20];
	v19 =	vadd.f32 v21, v19;
	vm0 =	vmand vm0, vm1;
	v10 =	vmul.f32 v16, v34  }
0xdd: {  	v29 =	vld [tilespmem:s17+$0x1FD0];
	v61 =	vsel vm0, $0x3F800000, v57  }
0xde: {  	v32 =	vld [tilespmem:s17+$0x1F60];
	v60 =	vimm.s32 $0x0;
	v8 =	vadd.f32 v10, v8;
	v10 =	vmul.f32 v19, v61  }
0xdf: {  	v33 =	vld [tilespmem:s17+$0x670];
	v63 =	vimm.s32 $0x0;
	v9 =	vadd.f32 v34, v9;
	vm0 =	vlt.f32 v41, $-1.000000000e+00  }
0xe0: {  	v31 =	vld [tilespmem:s17+$0x760];
	v58 =	vsel vm0, $0xFFFFFFFF, v63;
	vm0 =	vgt.f32 v41, $0.0e+00;
	v8 =	vadd.f32 v10, v8  }
0xe1: {  	vm9 =	vlt.f32 v25, $-1.000000000e+00;
	vm8 =	vgt.f32 v25, $-1.000000000e+00;
	v26 =	vld [tilespmem:s17+$0x7D0];
	[tilespmem:$0x1FC30] =	vst v58;
	v58 =	vsel vm0, $0xFFFFFFFF, v60  }
0xe2: {  	v3 =	vld [tilespmem:s17+$0x1FC0];
	vm0 =	vlt.f32 v27, $-1.000000000e+00;
	[tilespmem:$0x1FD50] =	vst v8;
	v8 =	vadd.f32 v61, v9;
	v61 =	vimm.s32 $0x0  }
0xe3: {  	v2 =	vld [tilespmem:s17+$0x7C0];
	v63 =	vimm.s32 $0x0;
	v59 =	vsel vm0, $0xFFFFFFFF, v61;
	vm0 =	vgt.f32 v27, $0.0e+00  }
0xe4: {  	v0 =	vld [tilespmem:s17+$0x1E70];
	v60 =	vimm.s32 $0x0;
	[tilespmem:$0x1FC20] =	vst v59;
	v59 =	vsel vm0, $0xFFFFFFFF, v63;
	vm0 =	vgt.f32 v41, $-1.000000000e+00  }
0xe5: {  	v63 =	vimm.s32 $0x0;
	v41 =	vsel vm0, $0xFFFFFFFF, v60;
	vm0 =	vgt.f32 v25, $0.0e+00  }
0xe6: {  	[tilespmem:$0x1FC60] =	vst v59;
	v25 =	vimm.s32 $0x0;
	v59 =	vsel vm0, $0xFFFFFFFF, v63;
	vm0 =	vgt.f32 v13, $0.0e+00  }
0xe7: {  	v25 =	vsel vm0, $0xFFFFFFFF, v25  }
0xe8: {  	v2 =	vsub.f32 v3, v2;
	v3 =	vld [tilespmem:s17+$0x1E10];
	[tilespmem:$0x1FC70] =	vst v25;
	v25 =	vsub.f32 v29, v26  }
0xe9: {  	v29 =	vsub.f32 v32, v31;
	v31 =	vsub.f32 v0, v33;
	v0 =	vld [tilespmem:s17+$0x610];
	_ =	sdelay $0x4  }
0xea: {  	v3 =	vsub.f32 v3, v0;
	v0 =	vld [tilespmem:$0x1FC20];
	_ =	sdelay $0x4  }
0xeb: {  	vm8 =	vmor vm8, vm9;
	vm9 =	vnez.u8 v0;
	v0 =	vld [tilespmem:$0x1FC30];
	_ =	sdelay $0x2  }
0xec: {  	v28 =	vld [tilespmem:s17+$0x770]  }
0xed: {  	v23 =	vld [tilespmem:s17+$0x1F70];
	vm7 =	vgt.f32 v27, $-1.000000000e+00;
	[tilespmem:$0x1FC40] =	vst v41  }
0xee: {  	vm7 =	vmor vm7, vm9;
	vm9 =	vnez.u8 v0;
	v0 =	vld [tilespmem:$0x1FC40];
	_ =	sdelay $0x3  }
0xef: {  	v23 =	vsub.f32 v23, v28  }
0xf0: {  	v28 =	vimm.s32 $0x0;
	vm0 =	vlt.f32 v13, $-1.000000000e+00;
	vm10 =	vnez.u8 v0  }
0xf1: {  	v28 =	vsel vm0, $0xFFFFFFFF, v28;
	v0 =	vimm.s32 $0x0;
	vm9 =	vmor vm10, vm9  }
0xf2: {  	v14 =	vld [tilespmem:s15+$0xFFFFFFE0];
	[tilespmem:$0x1FC50] =	vst v28;
	v0 =	vsel vm9, $0xFFFFFFFF, v0  }
0xf3: {  	[tilespmem:$0x1FD70] =	vst v0;
	v0 =	vld [tilespmem:$0x1FC50]  }
0xf4: {  	v15 =	vld [tilespmem:s17+$0x7F0]  }
0xf5: {  	v17 =	vld [tilespmem:s17+$0x1FF0]  }
0xf6: {  	v12 =	vld [tilespmem:s15+$0xFFFFFFF0]  }
0xf7: {  	vm5 =	vlt.f32 v14, $-1.000000000e+00;
	vm4 =	vgt.f32 v14, $-1.000000000e+00;
	v5 =	vld [tilespmem:s15+$0xFFFFFFC0]  }
0xf8: {  	vm5 =	vmor vm4, vm5;
	vm4 =	vnez.u8 v0;
	v0 =	vld [tilespmem:$0x1FC60]  }
0xf9: {  	v18 =	vld [tilespmem:s17+$0x7E0]  }
0xfa: {  	v22 =	vld [tilespmem:s15+$0xFFFFFFD0]  }
0xfb: {  	v36 =	vld [tilespmem:s17+$0x6F0];
	vm11 =	vgt.f32 v13, $-1.000000000e+00;
	v13 =	vimm.s32 $0x0;
	vm0 =	vgt.f32 v12, $0.0e+00  }
0xfc: {  	v37 =	vld [tilespmem:s17+$0x1F40];
	vm1 =	vlt.f32 v5, $-1.000000000e+00;
	v13 =	vsel vm0, $0xFFFFFFFF, v13;
	vm0 =	vgt.f32 v5, $-1.000000000e+00  }
0xfd: {  	v1 =	vld [tilespmem:s17+$0x1EF0];
	vm0 =	vmor vm0, vm1;
	vm1 =	vnez.u8 v0  }
0xfe: {  	v30 =	vld [tilespmem:s17+$0x1EE0];
	v0 =	vimm.s32 $0x0;
	vm1 =	vmand vm1, vm7  }
0xff: {  	v16 =	vld [tilespmem:s17+$0x740];
	v0 =	vsel vm1, $0xFFFFFFFF, v0  }
0x100: {  	[tilespmem:$0x1FD80] =	vst v0;
	v0 =	vld [tilespmem:$0x1FC70]  }
0x101: {  	v34 =	vld [tilespmem:s17+$0x1E50]  }
0x102: {  	v9 =	vld [tilespmem:s17+$0x1ED0]  }
0x103: {  	[tilespmem:$0x1FD20] =	vst v8;
	v8 =	vld [tilespmem:s17+$0x6D0]  }
0x104: {  	v19 =	vld [tilespmem:s17+$0x650];
	[tilespmem:$0x1FC80] =	vst v59  }
0x105: {  	vm1 =	vnez.u8 v0;
	v0 =	vld [tilespmem:$0x1FC80]  }
0x106: {  	v15 =	vsub.f32 v17, v15;
	vm13 =	vlt.f32 v12, $-1.000000000e+00;
	v20 =	vld [tilespmem:s17+$0x6E0]  }
0x107: {  	vm14 =	vgt.f32 v12, $-1.000000000e+00;
	vm3 =	vlt.f32 v22, $-1.000000000e+00;
	v12 =	vsub.f32 v37, v16;
	v16 =	vld [tilespmem:s17+$0x600]  }
0x108: {  	vm2 =	vgt.f32 v22, $-1.000000000e+00;
	v1 =	vsub.f32 v1, v36;
	v8 =	vsub.f32 v9, v8;
	v9 =	vld [tilespmem:s17+$0x1E00]  }
0x109: {  	v62 =	vld [tilespmem:s17+$0x1FE0];
	vm6 =	vgt.f32 v5, $0.0e+00;
	v19 =	vsub.f32 v34, v19;
	vm4 =	vmor vm11, vm4  }
0x10a: {  	v53 =	vld [tilespmem:s17+$0x780];
	vm10 =	vmor vm2, vm3;
	vm3 =	vmand vm1, vm4;
	vm1 =	vnez.u8 v0  }
0x10b: {  	v34 =	vand.u32 $0x7FFFFFFF, v2;
	v2 =	vimm.f32 $0.0e+00;
	v28 =	vld [tilespmem:s17+$0x680];
	vm4 =	vmand vm1, vm8  }
0x10c: {  	v63 =	vand.u32 $0x7FFFFFFF, v1;
	[tilespmem:$0x1FC90] =	vst v13;
	v13 =	vsub.f32 v30, v20;
	v30 =	vld [tilespmem:s17+$0x1E80];
	v1 =	vsel vm4, $0x3F800000, v2  }
0x10d: {  	v4 =	vld [tilespmem:s17+$0x1F50];
	v5 =	vsub.f32 v9, v16;
	v16 =	vand.u32 $0x7FFFFFFF, v15;
	[tilespmem:$0x1FD90] =	vst v1;
	v1 =	vsel vm3, $0x3F800000, v2  }
0x10e: {  	v7 =	vld [tilespmem:s17+$0x750];
	vm3 =	vlt.f32 v16, $1.000000000e+00;
	[tilespmem:$0x1FDA0] =	vst v1;
	v1 =	vimm.s32 $0x0  }
0x10f: {  	v18 =	vsub.f32 v62, v18;
	v54 =	vld [tilespmem:s17+$0x1F80];
	v1 =	vsel vm3, $0xFFFFFFFF, v1  }
0x110: {  	v0 =	vld [tilespmem:$0x1FC90];
	[tilespmem:$0x1FDB0] =	vst v1;
	v1 =	vadd.f32 $-5.000000000e-01, v16  }
0x111: {  	v9 =	vsub.f32 v30, v28;
	v28 =	vand.u32 $0x7FFFFFFF, v18  }
0x112: {  	vm3 =	vlt.f32 v28, $1.000000000e+00;
	[tilespmem:$0x1FDC0] =	vst v1;
	v1 =	vimm.s32 $0x0  }
0x113: {  	v1 =	vsel vm3, $0xFFFFFFFF, v1  }
0x114: {  	v35 =	vld [tilespmem:s17+$0x1FA0];
	vm13 =	vmor vm14, vm13;
	v4 =	vsub.f32 v4, v7;
	[tilespmem:$0x1FDD0] =	vst v1;
	v1 =	vadd.f32 $-5.000000000e-01, v28  }
0x115: {  	v50 =	vld [tilespmem:s17+$0x1E30];
	v36 =	vsub.f32 v54, v53;
	vm1 =	vnez.u8 v0;
	v0 =	vand.u32 $0x7FFFFFFF, v23  }
0x116: {  	v49 =	vld [tilespmem:s17+$0x630];
	v53 =	vand.u32 $0x7FFFFFFF, v4;
	vm3 =	vlt.f32 v0, $1.000000000e+00;
	[tilespmem:$0x1FCF0] =	vst v1;
	v1 =	vimm.s32 $0x0  }
0x117: {  	v4 =	vimm.f32 $0.0e+00;
	v10 =	vld [tilespmem:s17+$0x7A0];
	vm2 =	vmand vm1, vm13;
	v1 =	vsel vm3, $0xFFFFFFFF, v1  }
0x118: {  	[tilespmem:$0x1FDE0] =	vst v1;
	v1 =	vsel vm2, $0x3F800000, v4  }
0x119: {  	[tilespmem:$0x1FDF0] =	vst v1;
	v1 =	vadd.f32 $-5.000000000e-01, v0;
	_ =	sdelay $0x1  }
0x11a: {  	[tilespmem:$0x1FE00] =	vst v1;
	v1 =	vmul.f32 $5.000000000e-01, v16  }
0x11b: {  	v10 =	vsub.f32 v35, v10;
	v35 =	vsub.f32 v50, v49;
	v49 =	vand.u32 $0x7FFFFFFF, v29  }
0x11c: {  	vm2 =	vlt.f32 v49, $1.000000000e+00;
	[tilespmem:$0x1FCA0] =	vst v1;
	v1 =	vimm.s32 $0x0  }
0x11d: {  	v30 =	vand.u32 $0x7FFFFFFF, v25;
	v1 =	vsel vm2, $0xFFFFFFFF, v1  }
0x11e: {  	[tilespmem:$0x1FE10] =	vst v1;
	v1 =	vadd.f32 $-5.000000000e-01, v30;
	_ =	sdelay $0x1  }
0x11f: {  	[tilespmem:$0x1FD00] =	vst v1;
	v1 =	vadd.f32 $-5.000000000e-01, v49;
	_ =	sdelay $0x1  }
0x120: {  	vm2 =	vlt.f32 v63, $1.000000000e+00;
	[tilespmem:$0x1FE20] =	vst v1;
	v1 =	vimm.s32 $0x0  }
0x121: {  	v1 =	vsel vm2, $0xFFFFFFFF, v1  }
0x122: {  	[tilespmem:$0x1FE30] =	vst v1;
	v1 =	vmul.f32 $5.000000000e-01, v28  }
0x123: {  	v62 =	vand.u32 $0x7FFFFFFF, v31  }
0x124: {  	v47 =	vld [tilespmem:s17+$0x720];
	[tilespmem:$0x1FCB0] =	vst v1;
	v1 =	vadd.f32 $-5.000000000e-01, v62  }
0x125: {  	v48 =	vld [tilespmem:s17+$0x1F20]  }
0x126: {  	vm12 =	vgt.f32 v14, $0.0e+00;
	v61 =	vld [tilespmem:s17+$0x6A0];
	[tilespmem:$0x1FD10] =	vst v1;
	v1 =	vadd.f32 $-5.000000000e-01, v63  }
0x127: {  	v27 =	vld [tilespmem:s17+$0x1EA0];
	vm1 =	vmand vm12, vm5  }
0x128: {  	[tilespmem:$0x1FD30] =	vst v1;
	v1 =	vsel vm1, $0x3F800000, v4  }
0x129: {  	vm1 =	vlt.f32 v34, $1.000000000e+00;
	[tilespmem:$0x1FE40] =	vst v1;
	v1 =	vimm.s32 $0x0  }
0x12a: {  	v24 =	vld [tilespmem:s17+$0x1E60];
	v1 =	vsel vm1, $0xFFFFFFFF, v1  }
0x12b: {  	v6 =	vld [tilespmem:s17+$0x660];
	v33 =	vsub.f32 v48, v47;
	vm1 =	vlt.f32 v53, $1.000000000e+00;
	[tilespmem:$0x1FE50] =	vst v1;
	v1 =	vimm.s32 $0x0  }
0x12c: {  	v44 =	vld [tilespmem:s17+$0x1EC0];
	v47 =	vsub.f32 v27, v61;
	v61 =	vand.u32 $0x7FFFFFFF, v13;
	v1 =	vsel vm1, $0xFFFFFFFF, v1  }
0x12d: {  	v52 =	vld [tilespmem:s17+$0x1EB0];
	vm1 =	vlt.f32 v61, $1.000000000e+00;
	[tilespmem:$0x1FE60] =	vst v1;
	v1 =	vimm.s32 $0x0  }
0x12e: {  	v38 =	vld [tilespmem:s17+$0x730];
	v1 =	vsel vm1, $0xFFFFFFFF, v1  }
0x12f: {  	v43 =	vld [tilespmem:s17+$0x6C0];
	[tilespmem:$0x1FE70] =	vst v1;
	v1 =	vadd.f32 $-5.000000000e-01, v34  }
0x130: {  	v40 =	vld [tilespmem:s17+$0x640];
	v6 =	vsub.f32 v24, v6  }
0x131: {  	v39 =	vld [tilespmem:s17+$0x1F30];
	[tilespmem:$0x1FE80] =	vst v1;
	v1 =	vadd.f32 $-5.000000000e-01, v53  }
0x132: {  	v55 =	vld [tilespmem:s17+$0x710];
	v59 =	vand.u32 $0x7FFFFFFF, v6  }
0x133: {  	v11 =	vld [tilespmem:s17+$0x7B0];
	[tilespmem:$0x1FE90] =	vst v1;
	v1 =	vadd.f32 $-5.000000000e-01, v59  }
0x134: {  	v56 =	vld [tilespmem:s17+$0x1F10]  }
0x135: {  	v21 =	vld [tilespmem:s17+$0x1FB0];
	[tilespmem:$0x1FEA0] =	vst v1;
	v1 =	vadd.f32 $-5.000000000e-01, v61  }
0x136: {  	v42 =	vld [tilespmem:s17+$0x1E40]  }
0x137: {  	vm15 =	vgt.f32 v22, $0.0e+00;
	v45 =	vld [tilespmem:s17+$0x790];
	[tilespmem:$0x1FEB0] =	vst v1;
	v1 =	vmul.f32 $5.000000000e-01, v49  }
0x138: {  	v46 =	vld [tilespmem:s17+$0x1F90];
	vm5 =	vmand vm15, vm10  }
0x139: {  	v51 =	vld [tilespmem:s17+$0x6B0];
	v14 =	vsub.f32 v44, v43;
	v22 =	vsub.f32 v56, v55;
	[tilespmem:$0x1FCC0] =	vst v1;
	v1 =	vsel vm5, $0x3F800000, v4  }
0x13a: {  	v57 =	vld [tilespmem:s17+$0x620];
	v11 =	vsub.f32 v21, v11;
	v21 =	vsub.f32 v39, v38;
	[tilespmem:$0x1FEC0] =	vst v1;
	v1 =	vmul.f32 $5.000000000e-01, v62  }
0x13b: {  	v56 =	vand.u32 $0x7FFFFFFF, v14;
	v24 =	vsub.f32 v42, v40;
	[tilespmem:$0x1FD60] =	vst v58;
	v58 =	vld [tilespmem:s17+$0x1E20];
	v38 =	vmul.f32 $5.000000000e-01, v53  }
0x13c: {  	v39 =	vand.u32 $0x7FFFFFFF, v11;
	v55 =	vand.u32 $0x7FFFFFFF, v21;
	[tilespmem:$0x1FCD0] =	vst v1;
	v1 =	vmul.f32 $5.000000000e-01, v63  }
0x13d: {  	v43 =	vmul.f32 $5.000000000e-01, v39;
	v14 =	vmul.f32 $5.000000000e-01, v55;
	v60 =	vand.u32 $0x7FFFFFFF, v12  }
0x13e: {  	v41 =	vand.u32 $0x7FFFFFFF, v24;
	vm1 =	vlt.f32 v60, $1.000000000e+00;
	[tilespmem:$0x1FCE0] =	vst v1;
	v1 =	vimm.s32 $0x0  }
0x13f: {  	v32 =	vsub.f32 v46, v45;
	v37 =	vsub.f32 v52, v51;
	v1 =	vsel vm1, $0xFFFFFFFF, v1  }
0x140: {  	v54 =	vand.u32 $0x7FFFFFFF, v10;
	v45 =	vsub.f32 v58, v57;
	[tilespmem:$0x1FF00] =	vst v1;
	v1 =	vadd.f32 $-5.000000000e-01, v39  }
0x141: {  	v17 =	vld [tilespmem:s17+$0x700];
	v57 =	vand.u32 $0x7FFFFFFF, v19;
	v40 =	vmul.f32 $5.000000000e-01, v59;
	v42 =	vand.u32 $0x7FFFFFFF, v32  }
0x142: {  	v26 =	vld [tilespmem:s17+$0x1F00];
	v27 =	vand.u32 $0x7FFFFFFF, v33;
	v12 =	vmul.f32 $5.000000000e-01, v41;
	[tilespmem:$0x1FF20] =	vst v1;
	v1 =	vadd.f32 $-5.000000000e-01, v60  }
0x143: {  	vm0 =	vmand vm6, vm0;
	v58 =	vand.u32 $0x7FFFFFFF, v8;
	vm6 =	vlt.f32 v39, $1.000000000e+00  }
0x144: {  	v50 =	vmul.f32 $5.000000000e-01, v42;
	vm1 =	vlt.f32 v58, $1.000000000e+00;
	[tilespmem:$0x1FF30] =	vst v1;
	v1 =	vimm.s32 $0x0  }
0x145: {  	v48 =	vadd.f32 $-5.000000000e-01, v42;
	v52 =	vadd.f32 $-5.000000000e-01, v27;
	v1 =	vsel vm1, $0xFFFFFFFF, v1  }
0x146: {  	v11 =	vmul.f32 $5.000000000e-01, v27;
	v13 =	vadd.f32 $-5.000000000e-01, v55;
	[tilespmem:$0x1FFA0] =	vst v1;
	v1 =	vadd.f32 $-5.000000000e-01, v57  }
0x147: {  	v46 =	vsub.f32 v26, v17;
	v26 =	vand.u32 $0x7FFFFFFF, v36;
	v36 =	vand.u32 $0x7FFFFFFF, v35  }
0x148: {  	v7 =	vld [tilespmem:s17+$0x690];
	v35 =	vand.u32 $0x7FFFFFFF, v37;
	v10 =	vmul.f32 $5.000000000e-01, v0;
	[tilespmem:$0x1FF40] =	vst v1;
	v1 =	vadd.f32 $-5.000000000e-01, v58  }
0x149: {  	v20 =	vld [tilespmem:s17+$0x1E90];
	v17 =	vand.u32 $0x7FFFFFFF, v22;
	v22 =	vand.u32 $0x7FFFFFFF, v45;
	v37 =	vmul.f32 $5.000000000e-01, v34  }
0x14a: {  	v33 =	vmul.f32 $5.000000000e-01, v61;
	v0 =	vmul.f32 v10, v0;
	[tilespmem:$0x1FF50] =	vst v1;
	v1 =	vsel vm0, $0x3F800000, v4  }
0x14b: {  	v45 =	vmul.f32 $5.000000000e-01, v57;
	vm0 =	vlt.f32 v55, $1.000000000e+00;
	[tilespmem:$0x1FEF0] =	vst v1;
	v1 =	vimm.s32 $0x0  }
0x14c: {  	v15 =	vand.u32 $0x7FFFFFFF, v47;
	v47 =	vmul.f32 $5.000000000e-01, v54;
	[tilespmem:$0x1FEE0] =	vst v0;
	v1 =	vsel vm0, $0xFFFFFFFF, v1  }
0x14d: {  	v24 =	vmul.f32 $5.000000000e-01, v36;
	v32 =	vmul.f32 $5.000000000e-01, v26;
	v0 =	vld [tilespmem:$0x1FCC0];
	[tilespmem:$0x1FFB0] =	vst v1;
	v1 =	vadd.f32 $-5.000000000e-01, v54  }
0x14e: {  	v51 =	vadd.f32 $-5.000000000e-01, v36;
	v7 =	vsub.f32 v20, v7;
	v19 =	vand.u32 $0x7FFFFFFF, v46  }
0x14f: {  	v18 =	vand.u32 $0x7FFFFFFF, v3;
	vm0 =	vlt.f32 v41, $1.000000000e+00;
	[tilespmem:$0x1FD40] =	vst v1;
	v1 =	vimm.s32 $0x0  }
0x150: {  	v25 =	vmul.f32 $5.000000000e-01, v60;
	v46 =	vmul.f32 $5.000000000e-01, v58;
	v1 =	vsel vm0, $0xFFFFFFFF, v1  }
0x151: {  	v20 =	vmul.f32 $5.000000000e-01, v56;
	vm0 =	vlt.f32 v56, $1.000000000e+00;
	[tilespmem:$0x1FFC0] =	vst v1;
	v1 =	vimm.s32 $0x0  }
0x152: {  	v3 =	vmul.f32 $5.000000000e-01, v30;
	v0 =	vmul.f32 v0, v49;
	v1 =	vsel vm0, $0xFFFFFFFF, v1  }
0x153: {  	v6 =	vmul.f32 $5.000000000e-01, v18;
	v44 =	vand.u32 $0x7FFFFFFF, v7;
	[tilespmem:$0x1FFD0] =	vst v1;
	v1 =	vadd.f32 $-5.000000000e-01, v41  }
0x154: {  	v21 =	vand.u32 $0x7FFFFFFF, v9;
	v9 =	vmul.f32 $5.000000000e-01, v22;
	[tilespmem:$0x1FF10] =	vst v0;
	v0 =	vadd.f32 $-5.000000000e-01, v17  }
0x155: {  	v7 =	vmul.f32 $5.000000000e-01, v15;
	v8 =	vmul.f32 $5.000000000e-01, v44;
	[tilespmem:$0x1FF60] =	vst v1;
	v1 =	vadd.f32 $-5.000000000e-01, v56  }
0x156: {  	vm14 =	vlt.f32 v19, $1.000000000e+00;
	v31 =	vmul.f32 $5.000000000e-01, v21;
	v3 =	vmul.f32 v3, v30;
	[tilespmem:$0x1FF90] =	vst v0  }
0x157: {  	vm9 =	vlt.f32 v54, $1.000000000e+00;
	v0 =	vld [tilespmem:$0x1FCD0];
	vm0 =	vlt.f32 v36, $1.000000000e+00;
	[tilespmem:$0x1FF70] =	vst v1;
	v1 =	vimm.s32 $0x0  }
0x158: {  	v2 =	vimm.s32 $0x0;
	v1 =	vsel vm0, $0xFFFFFFFF, v1;
	vm0 =	vlt.f32 v17, $1.000000000e+00  }
0x159: {  	vm11 =	vlt.f32 v15, $1.000000000e+00;
	vm7 =	vlt.f32 v35, $1.000000000e+00;
	v2 =	vsel vm0, $0xFFFFFFFF, v2  }
0x15a: {  	vm8 =	vlt.f32 v57, $1.000000000e+00;
	vm4 =	vlt.f32 v30, $1.000000000e+00;
	v23 =	vand.u32 $0x7FFFFFFF, v5;
	[tilespmem:$0x1FFF0] =	vst v2;
	v2 =	vld [tilespmem:$0x1FCA0]  }
0x15b: {  	v5 =	vmul.f32 $5.000000000e-01, v17;
	vm10 =	vlt.f32 v27, $1.000000000e+00;
	vm13 =	vlt.f32 v26, $1.000000000e+00  }
0x15c: {  	v29 =	vmul.f32 $5.000000000e-01, v23;
	vm3 =	vlt.f32 v62, $1.000000000e+00;
	v62 =	vmul.f32 v0, v62;
	v0 =	vld [tilespmem:$0x1FCE0]  }
0x15d: {  	vm12 =	vlt.f32 v22, $1.000000000e+00;
	vm15 =	vlt.f32 v18, $1.000000000e+00;
	v30 =	vmul.f32 v47, v54  }
0x15e: {  	v47 =	vld [tilespmem:$0x1FD50];
	vm2 =	vlt.f32 v59, $1.000000000e+00;
	v59 =	vmul.f32 v40, v59;
	v61 =	vmul.f32 v33, v61  }
0x15f: {  	v57 =	vmul.f32 v45, v57;
	v4 =	vadd.f32 $-5.000000000e-01, v35;
	v16 =	vmul.f32 v2, v16;
	v2 =	vld [tilespmem:$0x1FCB0]  }
0x160: {  	p0 =	sne.s32 s16, $0x5800;
	v10 =	vadd.f32 $-5.000000000e-01, v26;
	v40 =	vld [tilespmem:$0x1FD20];
	v58 =	vmul.f32 v46, v58;
	v55 =	vmul.f32 v14, v55  }
.Ltmp0:
0x161: {  	vm5 =	vlt.f32 v42, $1.000000000e+00;
	v49 =	vld [tilespmem:$0x1FCF0];
	[tilespmem:$0x1FF80] =	vst v4;
	v4 =	vmul.f32 $5.000000000e-01, v19;
	v63 =	vmul.f32 v0, v63;
	(pc) =	sbr.rel @p0 .LBB2_2-.Ltmp0, $4  }
0x162: {  	v0 =	vadd.f32 $-5.000000000e-01, v22;
	v46 =	vld [tilespmem:$0x1FD40];
	v56 =	vmul.f32 v20, v56;
	[tilespmem:$0x1FFE0] =	vst v1;
	v1 =	vmul.f32 $5.000000000e-01, v35  }
0x163: {  	v54 =	vadd.f32 $-5.000000000e-01, v19;
	[tilespmem:$0x1FED0] =	vst v16;
	v16 =	vmul.f32 v37, v34;
	v37 =	vld [tilespmem:$0x1FD00];
	v34 =	vmul.f32 v38, v53  }
0x164: {  	vm0 =	vlt.f32 v44, $1.000000000e+00;
	v38 =	vld [tilespmem:$0x1FD10];
	v2 =	vmul.f32 v2, v28;
	v28 =	vmul.f32 v43, v39  }
0x165: {  	s16 =	sadd.s32 $0x800, s16;
	s15 =	sadd.s32 $0x80, s15;
	v45 =	vmovc v13;
	v53 =	vadd.f32 $-5.000000000e-01, v15;
	v43 =	vld [tilespmem:$0x1FD30];
	v39 =	vmul.f32 v25, v60;
	v60 =	vmul.f32 v12, v41  }
0x166: {  	v12 =	vld [tilespmem:$0x1FDD0]  }
0x167: {  	v33 =	vld [tilespmem:$0x1FE50]  }
0x168: {  	v13 =	vld [tilespmem:$0x1FE30]  }
0x169: {  	v41 =	vld [tilespmem:$0x1FF20]  }
0x16a: {  	v14 =	vld [tilespmem:$0x1FF40]  }
0x16b: {  	v3 =	vsel vm4, v3, v37;
	v37 =	vld [tilespmem:$0x1FE80]  }
0x16c: {  	v25 =	vld [tilespmem:$0x1FFA0]  }
0x16d: {  	v5 =	vmul.f32 v5, v17;
	v17 =	vld [tilespmem:$0x1FFF0]  }
0x16e: {  	v24 =	vmul.f32 v24, v36;
	v1 =	vmul.f32 v1, v35;
	v35 =	vld [tilespmem:$0x1FEC0]  }
0x16f: {  	v9 =	vmul.f32 v9, v22;
	v22 =	vmul.f32 v50, v42;
	v36 =	vld [tilespmem:$0x1FE60];
	vm4 =	vnez.u8 v33  }
0x170: {  	v50 =	vld [tilespmem:$0x1FDC0];
	vm1 =	vnez.u8 v12;
	v12 =	vsel vm4, v16, v37;
	vm4 =	vnez.u8 v13  }
0x171: {  	v20 =	vsel vm4, v63, v43;
	v43 =	vld [tilespmem:$0x1FEA0]  }
0x172: {  	v16 =	vsel vm3, v62, v38;
	v62 =	vld [tilespmem:$0x1FFB0]  }
0x173: {  	v30 =	vsel vm9, v30, v46;
	v46 =	vld [tilespmem:$0x1FFD0]  }
0x174: {  	v26 =	vmul.f32 v32, v26;
	v28 =	vsel vm6, v28, v41;
	v41 =	vsel vm8, v57, v14;
	v57 =	vld [tilespmem:$0x1FFE0]  }
0x175: {  	v11 =	vmul.f32 v11, v27;
	v31 =	vmul.f32 v31, v21;
	v2 =	vsel vm1, v2, v49;
	v49 =	vld [tilespmem:$0x1FE70]  }
0x176: {  	v4 =	vmul.f32 v4, v19;
	v6 =	vmul.f32 v6, v18;
	v33 =	vsel vm2, v59, v43;
	v59 =	vld [tilespmem:$0x1FEB0]  }
0x177: {  	v8 =	vmul.f32 v8, v44;
	v7 =	vmul.f32 v7, v15;
	v38 =	vld [tilespmem:$0x1FFC0];
	vm4 =	vnez.u8 v62  }
0x178: {  	v10 =	vsel vm13, v26, v10;
	v11 =	vsel vm10, v11, v52;
	v37 =	vsel vm4, v55, v45;
	v45 =	vld [tilespmem:$0x1FF70]  }
0x179: {  	v52 =	vadd.f32 $-5.000000000e-01, v23;
	v0 =	vsel vm12, v9, v0;
	v7 =	vsel vm11, v7, v53;
	v63 =	vld [tilespmem:$0x1FF60]  }
0x17a: {  	v0 =	vadd.f32 v7, v0;
	vm13 =	vnez.u8 v57;
	v57 =	vld [tilespmem:$0x1FD60];
	vm6 =	vnez.u8 v49  }
0x17b: {  	vm10 =	vlt.f32 v21, $1.000000000e+00;
	v4 =	vsel vm14, v4, v54;
	v13 =	vsel vm6, v61, v59;
	v61 =	vld [tilespmem:$0x1FF50]  }
0x17c: {  	v0 =	vadd.f32 v11, v0;
	vm8 =	vnez.u8 v46;
	v62 =	vadd.f32 $-5.000000000e-01, v44;
	v44 =	vld [tilespmem:$0x1FDE0]  }
0x17d: {  	v55 =	vmul.f32 v29, v23;
	v29 =	vld [tilespmem:$0x1FEF0];
	v49 =	vsel vm8, v56, v45;
	v56 =	vadd.f32 $-5.000000000e-01, v21  }
0x17e: {  	vm9 =	vnez.u8 v25;
	v25 =	vsel vm5, v22, v48;
	vm6 =	vnez.u8 v38;
	v38 =	vld [tilespmem:$0x1FE40]  }
0x17f: {  	v0 =	vadd.f32 v30, v0;
	v43 =	vsel vm6, v60, v63;
	v60 =	vsel vm10, v31, v56;
	v31 =	vld [tilespmem:$0x1FF00]  }
0x180: {  	v32 =	vsel vm9, v58, v61;
	vm9 =	vlt.f32 v23, $1.000000000e+00;
	v61 =	vadd.f32 $-5.000000000e-01, v18;
	v18 =	vld [tilespmem:$0x1FF90]  }
0x181: {  	v8 =	vsel vm0, v8, v62;
	v58 =	vsel vm13, v24, v51;
	v24 =	vld [tilespmem:$0x1FF80];
	v59 =	vsel vm9, v55, v52  }
0x182: {  	vm14 =	vnez.u8 v57;
	v26 =	vadd.f32 v32, v41;
	v32 =	vld [tilespmem:$0x1FF30];
	v63 =	vadd.f32 v60, v59  }
0x183: {  	vm11 =	vnez.u8 v44;
	v11 =	vadd.f32 v29, v40;
	v40 =	vld [tilespmem:$0x1FE20];
	v19 =	vadd.f32 v13, v33  }
0x184: {  	v33 =	vadd.f32 v49, v43;
	v49 =	vld [tilespmem:$0x1FDB0];
	v6 =	vsel vm15, v6, v61;
	v4 =	vadd.f32 v4, v63  }
0x185: {  	vm6 =	vnez.u8 v17;
	v56 =	vld [tilespmem:$0x1FD80];
	vm8 =	vnez.u8 v31;
	v6 =	vadd.f32 v8, v6  }
0x186: {  	v41 =	vld [tilespmem:$0x1FF10];
	v5 =	vsel vm6, v5, v18;
	v1 =	vsel vm7, v1, v24;
	v4 =	vadd.f32 v10, v4  }
0x187: {  	v5 =	vadd.f32 v5, v6;
	v1 =	vadd.f32 v1, v58;
	v6 =	vsel vm8, v39, v32;
	v39 =	vld [tilespmem:$0x1FE10]  }
0x188: {  	v42 =	vadd.f32 v35, v11;
	v23 =	vadd.f32 v20, v16;
	v0 =	vmul.f32 v0, v38;
	v58 =	vld [tilespmem:$0x1FD70]  }
0x189: {  	v5 =	vadd.f32 v25, v5;
	v4 =	vmul.f32 v4, v29;
	v1 =	vadd.f32 v37, v1;
	v37 =	vld [tilespmem:$0x1FE90]  }
0x18a: {  	v43 =	vld [tilespmem:$0x1FDF0];
	vm9 =	vnez.u8 v36;
	v55 =	vimm.f32 $0.0e+00;
	v6 =	vadd.f32 v6, v33  }
0x18b: {  	v46 =	vld [tilespmem:$0x1FEE0];
	vm12 =	vnez.u8 v49;
	v4 =	vadd.f32 v4, v47;
	v5 =	vmul.f32 v5, v35  }
0x18c: {  	vm13 =	vnez.u8 v56;
	v8 =	vadd.f32 v38, v42;
	v6 =	vadd.f32 v12, v6;
	v47 =	vld [tilespmem:$0x1FDA0]  }
0x18d: {  	v45 =	vld [tilespmem:$0x1FE00];
	v1 =	vadd.f32 v28, v1;
	vm10 =	vnez.u8 v39;
	v4 =	vadd.f32 v5, v4  }
0x18e: {  	v53 =	vld [tilespmem:$0x1FD90];
	vm15 =	vnez.u8 v58;
	v5 =	vsel vm10, v41, v40;
	v10 =	vsel vm9, v34, v37  }
0x18f: {  	v51 =	vld [tilespmem:$0x1FED0];
	v1 =	vmul.f32 v1, v43;
	v7 =	vadd.f32 v10, v26;
	v0 =	vadd.f32 v0, v4  }
0x190: {  	v52 =	vadd.f32 v43, v8;
	vm0 =	vmand vm14, vm15;
	v5 =	vadd.f32 v5, v19  }
0x191: {  	v48 =	vmul.f32 v6, v47;
	v3 =	vadd.f32 v3, v7;
	v0 =	vadd.f32 v1, v0  }
0x192: {  	v4 =	vsel vm11, v46, v45;
	v2 =	vadd.f32 v2, v5;
	v59 =	vadd.f32 v47, v52  }
0x193: {  	v4 =	vadd.f32 v4, v23;
	v0 =	vadd.f32 v48, v0;
	v54 =	vmul.f32 v3, v53  }
0x194: {  	v6 =	vsel vm12, v51, v50;
	v5 =	vadd.f32 v53, v59;
	v3 =	vsel vm13, $0x3F800000, v55  }
0x195: {  	v4 =	vadd.f32 v6, v4;
	v60 =	vmul.f32 v2, v3;
	v0 =	vadd.f32 v54, v0  }
0x196: {  	v61 =	vsel vm0, $0x3F800000, v55;
	v3 =	vadd.f32 v3, v5  }
0x197: {  	v62 =	vmul.f32 v4, v61;
	v0 =	vadd.f32 v60, v0  }
0x198: {  	v63 =	vadd.f32 v61, v3  }
0x199: {  	v0 =	vadd.f32 v62, v0  }
0x19a: {  	[tilespmem:$0x3610] =	vst v63  }
0x19b: {  	[tilespmem:$0x3600] =	vst v0  }
0x19c: {  	[hbm4b:s5+s2] =	stream.linear.scatter [tilespmem:s12], [sflag:$0x1], $0x10, $0x38;
	[tilespmem:$0x3680] =	vst v63  }
0x19d: {  	s14 =	sadd.s32 $0x1, s14;
	_ =	swait.ge [sflag:s9], $0x10  }
0x19e: {  	p0 =	sne.s32 s14, s8;
	[sflag:s9] =	ssyncset.done $0x0  }
.Ltmp1:
0x19f: {  	[sflag:s9] =	ssyncadd.s32 $0xFFFFFFF0;
	(pc) =	sbr.rel @p0 .LBB2_1-.Ltmp1, $4  }
0x1a0: {  	[hbm4b:s7+s2] =	stream.linear.scatter [tilespmem:s13], [sflag:$0x1], $0x10, $0x38;
	[tilespmem:$0x3680] =	vst v63  }
0x1a1: {  	_ =	swait.ge [sflag:s9], $0x10  }
0x1a2: {  	[sflag:s9] =	ssyncset.done $0x0  }
0x1a3: {  	[sflag:s9] =	ssyncadd.s32 $0xFFFFFFF0  }
0x1a4: {  	_ =	sfence.sel $0x180000  }
0x1a5: {  	[bflag:$0x0] =	sbarrier.arrive $0xFFFF  }
0x1a6: {  	p0 =	sne.s32 s0, $0x0;
	_ =	strace $0x90000047  }
0x1a7: {  	s0 =	sadd.s32 @!p0 $0x100000, s1;
	[bflag:$0x2] =	sbarrier.arrive $0xFFFF  }
0x1a8: {  	[sflag:s0] =	ssyncadd.tile.s32 @!p0 $0x1;
	_ =	shalt  }
.Lfunc_end2:
_tile_overlayer_lowered:
.L_overlay_start_2:
0x1a9: {  	(tag) =	ssettag $0x2  }
0x1aa: {  	s0 =	rddreg [dreg:$0x0];
	s2 =	stileid.u32  }
0x1ab: {  	s1 =	rddreg [dreg:$0x1];
	p0 =	sne.s32 s2, $0x0  }
0x1ac: {  	s3 =	rddreg [dreg:$0x2];
	[bflag:$0x3] =	sbarrier.arrive $0xFFFF;
	s2 =	simm.s32 @!p0 $0x1C01  }
0x1ad: {  	[timem:s3], [sflag:s2] =	dma.local @!p0 [hbm:s0], s1  }
0x1ae: {  	s0 =	simm.s32 @!p0 $0x1  }
0x1af: {  	_ =	swait.ge @!p0 [sflag:s0], s1  }
0x1b0: {  	s1 =	ssub.s32 @!p0 $0x0, s1;
	[sflag:s0] =	ssyncset.done @!p0 $0x0  }
0x1b1: {  	[sflag:s0] =	ssyncadd.s32 @!p0 s1  }
0x1b2: {  	[bflag:$0x3] =	sbarrier.arrive $0xFFFF  }
0x1b3: {  	_ =	shalt  }

</sc_bundles>
